<compile_context>
chip_gen: v7x
topology: tpu7x:2x2x1
jax: 0.10.2.dev20260603
libtpu: 0.0.44.dev20260713+nightly
codegen_flags: <defaults>
</compile_context>

<pallas_src>
import jax
import jax.numpy as jnp
from jax.experimental import pallas as pl
from jax.experimental.pallas import tpu as pltpu
from jax.experimental.pallas import tpu_sc as plsc

T = 2048
REPR = 2048
FEAT = 1024
HID = 1024
GATE = 256
MOEH = 512
E = 16
K = 2
ACT = 12

BT = 128
NTB = T // BT
A = T * K
BM = 128
NB = A // BM
NPAIR = NB + E - 1

_F32 = jnp.float32
_I32 = jnp.int32



def _gate_kernel(obs_ref, wt_ref, bt_ref, lng_ref, lnb_ref, wp1_ref, bp1_ref,
                 wg1_ref, bg1_ref, wg2_ref, bg2_ref,
                 x_ref, topi_ref, topv_ref, rank_ref, counts_ref, offs_ref,
                 aux_ref, acc_ref):
    i = pl.program_id(0)

    @pl.when(i == 0)
    def _():
        acc_ref[...] = jnp.zeros_like(acc_ref)

    h = jnp.dot(obs_ref[...], wt_ref[...], preferred_element_type=_F32)
    h = h + bt_ref[...]
    mu_ = jnp.mean(h, axis=-1, keepdims=True)
    var = jnp.mean((h - mu_) ** 2, axis=-1, keepdims=True)
    h = (h - mu_) / jnp.sqrt(var + 1e-5) * lng_ref[...] + lnb_ref[...]
    h = jnp.tanh(h)

    x = jax.nn.relu(jnp.dot(h, wp1_ref[...], preferred_element_type=_F32)
                    + bp1_ref[...])
    x_ref[...] = x

    gh = jax.nn.relu(jnp.dot(x, wg1_ref[...], preferred_element_type=_F32)
                     + bg1_ref[...])
    logits = jnp.dot(gh, wg2_ref[...], preferred_element_type=_F32) + bg2_ref[...]
    m = jnp.max(logits, axis=-1, keepdims=True)
    p = jnp.exp(logits - m)
    probs = p / jnp.sum(p, axis=-1, keepdims=True)

    iota_e = jax.lax.broadcasted_iota(_I32, (BT, E), 1).astype(_F32)
    v1 = jnp.max(probs, axis=-1, keepdims=True)
    i1 = jnp.min(jnp.where(probs == v1, iota_e, _F32(E)), axis=-1,
                 keepdims=True)
    oh1 = (iota_e == i1)
    masked = jnp.where(oh1, -jnp.inf, probs)
    v2 = jnp.max(masked, axis=-1, keepdims=True)
    i2 = jnp.min(jnp.where(masked == v2, iota_e, _F32(E)), axis=-1,
                 keepdims=True)
    oh2 = (iota_e == i2)
    s = v1 + v2 + 1e-9
    w1 = v1 / s
    w2 = v2 / s

    oh1f = oh1.astype(_F32)
    oh2f = oh2.astype(_F32)
    tri = (jax.lax.broadcasted_iota(_I32, (BT, BT), 1)
           < jax.lax.broadcasted_iota(_I32, (BT, BT), 0)).astype(_F32)
    cum0 = jnp.dot(tri, oh1f, preferred_element_type=_F32)
    cum1 = jnp.dot(tri, oh2f, preferred_element_type=_F32)
    colsum0 = jnp.sum(oh1f, axis=0, keepdims=True)
    colsum1 = jnp.sum(oh2f, axis=0, keepdims=True)
    run = acc_ref[0:1, :]
    rank0 = jnp.sum(oh1f * (cum0 + run), axis=-1, keepdims=True)
    rank1 = jnp.sum(oh2f * (cum1 + colsum0 + run), axis=-1, keepdims=True)

    topi_ref[...] = jnp.concatenate([i1, i2], axis=1).astype(_I32)
    topv_ref[...] = jnp.concatenate([w1, w2], axis=1)
    rank_ref[...] = jnp.concatenate([rank0, rank1], axis=1).astype(_I32)

    acc_ref[0:1, :] = run + colsum0 + colsum1
    acc_ref[1:2, :] += jnp.sum(probs, axis=0, keepdims=True)
    gz = (oh1f * (w1 > 0).astype(_F32) + oh2f * (w2 > 0).astype(_F32))
    acc_ref[2:3, :] += jnp.sum(gz, axis=0, keepdims=True)

    @pl.when(i == NTB - 1)
    def _():
        cnt = acc_ref[0:1, :]
        counts_ref[...] = cnt.astype(_I32)
        excl = (jax.lax.broadcasted_iota(_I32, (E, E), 0)
                < jax.lax.broadcasted_iota(_I32, (E, E), 1)).astype(_F32)
        offs_ref[...] = jnp.dot(cnt, excl,
                                preferred_element_type=_F32).astype(_I32)
        imp = acc_ref[1:2, :] * _F32(1.0 / T)
        load = acc_ref[2:3, :] * _F32(1.0 / T)
        aux_ref[...] = jnp.sum(imp * load).reshape(1, 1) * _F32(E)


def _gate_call(obs, Wt, bt, ln_g, ln_b, Wp1, bp1, Wg1, bg1, Wg2, bg2):
    full = lambda i: (0, 0)
    blk = lambda i: (i, 0)
    return pl.pallas_call(
        _gate_kernel,
        grid=(NTB,),
        in_specs=[
            pl.BlockSpec((BT, REPR), blk),
            pl.BlockSpec((REPR, FEAT), full),
            pl.BlockSpec((1, FEAT), full),
            pl.BlockSpec((1, FEAT), full),
            pl.BlockSpec((1, FEAT), full),
            pl.BlockSpec((FEAT, HID), full),
            pl.BlockSpec((1, HID), full),
            pl.BlockSpec((HID, GATE), full),
            pl.BlockSpec((1, GATE), full),
            pl.BlockSpec((GATE, E), full),
            pl.BlockSpec((1, E), full),
        ],
        out_specs=[
            pl.BlockSpec((BT, HID), blk),
            pl.BlockSpec((BT, K), blk),
            pl.BlockSpec((BT, K), blk),
            pl.BlockSpec((BT, K), blk),
            pl.BlockSpec((1, E), full),
            pl.BlockSpec((1, E), full),
            pl.BlockSpec((1, 1), full),
        ],
        out_shape=[
            jax.ShapeDtypeStruct((T, HID), _F32),
            jax.ShapeDtypeStruct((T, K), _I32),
            jax.ShapeDtypeStruct((T, K), _F32),
            jax.ShapeDtypeStruct((T, K), _I32),
            jax.ShapeDtypeStruct((1, E), _I32),
            jax.ShapeDtypeStruct((1, E), _I32),
            jax.ShapeDtypeStruct((1, 1), _F32),
        ],
        scratch_shapes=[pltpu.VMEM((4, E), _F32)],
    )(obs, Wt, bt.reshape(1, FEAT), ln_g.reshape(1, FEAT),
      ln_b.reshape(1, FEAT), Wp1, bp1.reshape(1, HID), Wg1,
      bg1.reshape(1, GATE), Wg2, bg2.reshape(1, E))



def _expert_kernel(pb_ref, pe_ref, plo_ref, phi_ref, pf_ref,
                   xs_ref, we1_ref, be1_ref, we2_ref, be2_ref, ys_ref):
    p = pl.program_id(0)
    gr = pb_ref[p] * BM + jax.lax.broadcasted_iota(_I32, (BM, 1), 0)
    mask = (gr >= plo_ref[p]) & (gr < phi_ref[p])
    h = jax.nn.relu(jnp.dot(xs_ref[...], we1_ref[0],
                            preferred_element_type=_F32) + be1_ref[0])
    o = jnp.dot(h, we2_ref[0], preferred_element_type=_F32) + be2_ref[0]
    contrib = jnp.where(mask, o, _F32(0.0))

    @pl.when(pf_ref[p] == 1)
    def _():
        ys_ref[...] = contrib

    @pl.when(pf_ref[p] == 0)
    def _():
        ys_ref[...] += contrib


def _expert_call(pb, pe, plo, phi, pf, xs, We1, be1, We2, be2):
    grid_spec = pltpu.PrefetchScalarGridSpec(
        num_scalar_prefetch=5,
        grid=(NPAIR,),
        in_specs=[
            pl.BlockSpec((BM, HID), lambda p, pb, pe, lo, hi, f: (pb[p], 0)),
            pl.BlockSpec((1, HID, MOEH),
                         lambda p, pb, pe, lo, hi, f: (pe[p], 0, 0)),
            pl.BlockSpec((1, 1, MOEH),
                         lambda p, pb, pe, lo, hi, f: (pe[p], 0, 0)),
            pl.BlockSpec((1, MOEH, HID),
                         lambda p, pb, pe, lo, hi, f: (pe[p], 0, 0)),
            pl.BlockSpec((1, 1, HID),
                         lambda p, pb, pe, lo, hi, f: (pe[p], 0, 0)),
        ],
        out_specs=pl.BlockSpec((BM, HID),
                               lambda p, pb, pe, lo, hi, f: (pb[p], 0)),
    )
    return pl.pallas_call(
        _expert_kernel,
        grid_spec=grid_spec,
        out_shape=jax.ShapeDtypeStruct((A, HID), _F32),
    )(pb, pe, plo, phi, pf, xs, We1, be1.reshape(E, 1, MOEH), We2,
      be2.reshape(E, 1, HID))



def _combine_kernel(g0_ref, g1_ref, topv_ref, wp2_ref, bp2_ref, mu_ref):
    y = (topv_ref[:, 0:1] * g0_ref[...] + topv_ref[:, 1:2] * g1_ref[...])
    y = jax.nn.relu(y)
    mu_ref[...] = jnp.tanh(jnp.dot(y, wp2_ref[...], preferred_element_type=_F32)
                           + bp2_ref[...])


def _combine_call(g, topv, Wp2, bp2):
    return pl.pallas_call(
        _combine_kernel,
        grid=(NTB,),
        in_specs=[
            pl.BlockSpec((BT, HID), lambda i: (i, 0)),
            pl.BlockSpec((BT, HID), lambda i: (NTB + i, 0)),
            pl.BlockSpec((BT, K), lambda i: (i, 0)),
            pl.BlockSpec((HID, ACT), lambda i: (0, 0)),
            pl.BlockSpec((1, ACT), lambda i: (0, 0)),
        ],
        out_specs=pl.BlockSpec((BT, ACT), lambda i: (i, 0)),
        out_shape=jax.ShapeDtypeStruct((T, ACT), _F32),
    )(g, g, topv, Wp2, bp2.reshape(1, ACT))



def _inv_kernel(slot_ref, inv_ref, acc_ref):
    i = pl.program_id(0)

    @pl.when(i == 0)
    def _():
        acc_ref[...] = jnp.zeros_like(acc_ref)

    iota_a = jax.lax.broadcasted_iota(_I32, (BT, A), 1)
    t = i * BT + jax.lax.broadcasted_iota(_I32, (BT, 1), 0)
    oh0 = (iota_a == slot_ref[:, 0:1]).astype(_F32)
    oh1 = (iota_a == slot_ref[:, 1:2]).astype(_F32)
    acc_ref[...] += jnp.sum((oh0 + oh1) * t.astype(_F32), axis=0,
                            keepdims=True)

    @pl.when(i == NTB - 1)
    def _():
        inv_ref[...] = acc_ref[...].astype(_I32)


def _inv_call(slot):
    return pl.pallas_call(
        _inv_kernel,
        grid=(NTB,),
        in_specs=[pl.BlockSpec((BT, K), lambda i: (i, 0))],
        out_specs=pl.BlockSpec((1, A), lambda i: (0, 0)),
        out_shape=jax.ShapeDtypeStruct((1, A), _I32),
        scratch_shapes=[pltpu.VMEM((1, A), _F32)],
    )(slot)



_SC_NC = 2
_SC_NS = 16
NW = _SC_NC * _SC_NS
APW = A // NW
CH = 64
NCH = APW // CH


def _vec_mesh():
    return plsc.VectorSubcoreMesh(core_axis_name="core",
                                  subcore_axis_name="subcore")


def _sc_gather_rows(table, idx):
    return jnp.take(table, idx, axis=0)
    w = table.shape[1]

    @pl.kernel(out_type=jax.ShapeDtypeStruct((A, w), table.dtype),
               mesh=_vec_mesh(),
               scratch_types=[pltpu.VMEM((CH,), _I32),
                              pltpu.VMEM((CH, w), table.dtype),
                              pltpu.SemaphoreType.DMA])
    def k(t_hbm, i_hbm, o_hbm, i_v, r_v, sem):
        wid = (jax.lax.axis_index("subcore") * _SC_NC
               + jax.lax.axis_index("core"))
        for c in range(NCH):
            base = wid * APW + c * CH
            pltpu.sync_copy(i_hbm.at[pl.ds(base, CH)], i_v)
            pltpu.async_copy(t_hbm.at[i_v], r_v, sem).wait()
            pltpu.sync_copy(r_v, o_hbm.at[pl.ds(base, CH)])

    return k(table, idx)



def _pair_metadata(counts, offs):
    c = counts.astype(_I32)
    o = offs.astype(_I32)
    b0 = o // BM
    b1 = jnp.where(c > 0, (o + c - 1) // BM, b0)
    nblk = jnp.where(c > 0, b1 - b0 + 1, 0)
    start = jnp.cumsum(nblk) - nblk
    total = jnp.sum(nblk)
    p_ar = jnp.arange(NPAIR, dtype=_I32)
    e_p = (jnp.sum((p_ar[:, None] >= start[None, :]).astype(_I32), axis=1) - 1)
    e_p = jnp.clip(e_p, 0, E - 1)
    j = p_ar - start[e_p]
    b_p = b0[e_p] + j
    lo = jnp.maximum(o[e_p], b_p * BM)
    hi = jnp.minimum(o[e_p] + c[e_p], (b_p + 1) * BM)
    valid = p_ar < total
    b_p = jnp.where(valid, b_p, NB - 1)
    lo = jnp.where(valid, lo, 0)
    hi = jnp.where(valid, hi, 0)
    e_p = jnp.where(valid, e_p, 0)
    first = jnp.concatenate(
        [jnp.ones((1,), _I32), (b_p[1:] != b_p[:-1]).astype(_I32)])
    return b_p, e_p, lo, hi, first



def kernel(obs, std, Wt, bt, ln_g, ln_b, Wp1, bp1, Wg1, bg1, Wg2, bg2,
           We1, be1, We2, be2, Wp2, bp2):
    x, topi, topv, rank, counts, offs, aux = _gate_call(
        obs, Wt, bt, ln_g, ln_b, Wp1, bp1, Wg1, bg1, Wg2, bg2)
    counts = counts[0]
    offs = offs[0]

    slot = jnp.take(offs, topi, axis=0) + rank
    slot_km = slot.T.reshape(A)

    tok = _inv_call(slot).reshape(A)

    xs = _sc_gather_rows(x, tok)

    pb, pe, plo, phi, pf = _pair_metadata(counts, offs)
    ys = _expert_call(pb, pe, plo, phi, pf, xs, We1, be1, We2, be2)

    g = _sc_gather_rows(ys, slot_km)
    mu = _combine_call(g, topv, Wp2, bp2)

    std_t = jnp.ones_like(mu) * std
    return (mu, std_t, aux[0, 0])

# --- scband reference (transcript-rebuilt; emitter-appended) ---
"""Pipeline reference for scband-actor-4191888081259 (READ-ONLY COPY).

The authoritative reference and input builder live on the scoring server;
editing this copy changes nothing except your own understanding.
"""

import jax, jax.numpy as jnp
import numpy as np

T = 2048      # tokens (batch of observations)
REPR = 2048   # repr_dim
FEAT = 1024   # feature_dim
HID = 1024    # hidden_dim (MoE input/output dim)
GATE = 256    # moe_gate_dim
MOEH = 512    # moe_hidden_dim
E = 16        # num_experts
K = 2         # top_k
ACT = 12      # action_shape[0]


def setup_inputs(seed: int = 0) -> dict:
    key = jax.random.key(seed)
    ks = jax.random.split(key, 12)

    def init(k, shape, fan_in):
        return jax.random.normal(k, shape, dtype=jnp.float32) / np.sqrt(fan_in)

    return {
        "obs": jax.random.normal(ks[0], (T, REPR), dtype=jnp.float32),
        "std": jnp.ones((1,), dtype=jnp.float32),
        "Wt": init(ks[1], (REPR, FEAT), REPR),
        "bt": jnp.zeros((FEAT,), dtype=jnp.float32),
        "ln_g": jnp.ones((FEAT,), dtype=jnp.float32),
        "ln_b": jnp.zeros((FEAT,), dtype=jnp.float32),
        "Wp1": init(ks[2], (FEAT, HID), FEAT),
        "bp1": jnp.zeros((HID,), dtype=jnp.float32),
        "Wg1": init(ks[3], (HID, GATE), HID),
        "bg1": jnp.zeros((GATE,), dtype=jnp.float32),
        "Wg2": init(ks[4], (GATE, E), GATE),
        "bg2": jnp.zeros((E,), dtype=jnp.float32),
        "We1": init(ks[5], (E, HID, MOEH), HID),
        "be1": jnp.zeros((E, MOEH), dtype=jnp.float32),
        "We2": init(ks[6], (E, MOEH, HID), MOEH),
        "be2": jnp.zeros((E, HID), dtype=jnp.float32),
        "Wp2": init(ks[7], (HID, ACT), HID),
        "bp2": jnp.zeros((ACT,), dtype=jnp.float32),
    }


def reference(obs, std, Wt, bt, ln_g, ln_b, Wp1, bp1, Wg1, bg1, Wg2, bg2,
              We1, be1, We2, be2, Wp2, bp2):
    # trunk: Linear -> LayerNorm -> Tanh
    h = obs @ Wt + bt
    mu_ = jnp.mean(h, axis=-1, keepdims=True)
    var = jnp.mean((h - mu_) ** 2, axis=-1, keepdims=True)
    h = (h - mu_) / jnp.sqrt(var + 1e-5) * ln_g + ln_b
    h = jnp.tanh(h)

    # policy1: Linear -> ReLU
    x = jax.nn.relu(h @ Wp1 + bp1)

    # MoE gate: 2-layer MLP over tokens -> expert logits -> softmax -> top-k
    gh = jax.nn.relu(x @ Wg1 + bg1)
    logits = gh @ Wg2 + bg2
    probs = jax.nn.softmax(logits, axis=-1)
    topv, topi = jax.lax.top_k(probs, K)
    topv = topv / (jnp.sum(topv, axis=-1, keepdims=True) + 1e-9)
    Tn = x.shape[0]
    gates = jnp.zeros((Tn, E), dtype=x.dtype).at[jnp.arange(Tn)[:, None], topi].set(topv)

    # experts: per-expert 2-layer MLP (computed densely, combined by sparse gates)
    eh = jax.nn.relu(jnp.einsum('td,edh->teh', x, We1) + be1[None, :, :])
    eo = jnp.einsum('teh,eho->teo', eh, We2) + be2[None, :, :]
    y = jnp.einsum('te,teo->to', gates, eo)

    # load-balancing aux loss
    importance = jnp.mean(probs, axis=0)
    load = jnp.mean((gates > 0).astype(jnp.float32), axis=0)
    aux_loss = E * jnp.sum(importance * load)

    # policy2: ReLU -> Linear, then tanh
    mu = jnp.tanh(jax.nn.relu(y) @ Wp2 + bp2)
    std_t = jnp.ones_like(mu) * std
    return (mu, std_t, aux_loss)

if __name__ == "__main__":
    import jax
    _d = setup_inputs()
    print(jax.jit(kernel)(*tuple(_d.values())))

</pallas_src>

<mosaic_0001>
module attributes {stable_mosaic.version = 14 : i64} {
  func.func @_gate_kernel(%arg0: i32, %arg1: memref<128x2048xf32, #tpu.memory_space<vmem>>, %arg2: memref<2048x1024xf32, #tpu.memory_space<vmem>>, %arg3: memref<1x1024xf32, #tpu.memory_space<vmem>>, %arg4: memref<1x1024xf32, #tpu.memory_space<vmem>>, %arg5: memref<1x1024xf32, #tpu.memory_space<vmem>>, %arg6: memref<1024x1024xf32, #tpu.memory_space<vmem>>, %arg7: memref<1x1024xf32, #tpu.memory_space<vmem>>, %arg8: memref<1024x256xf32, #tpu.memory_space<vmem>>, %arg9: memref<1x256xf32, #tpu.memory_space<vmem>>, %arg10: memref<256x16xf32, #tpu.memory_space<vmem>>, %arg11: memref<1x16xf32, #tpu.memory_space<vmem>>, %arg12: memref<128x1024xf32, #tpu.memory_space<vmem>>, %arg13: memref<128x2xi32, #tpu.memory_space<vmem>>, %arg14: memref<128x2xf32, #tpu.memory_space<vmem>>, %arg15: memref<128x2xi32, #tpu.memory_space<vmem>>, %arg16: memref<1x16xi32, #tpu.memory_space<vmem>>, %arg17: memref<1x16xi32, #tpu.memory_space<vmem>>, %arg18: memref<1x1xf32, #tpu.memory_space<vmem>>, %arg19: memref<4x16xf32, #tpu.memory_space<vmem>>) attributes {dimension_semantics = [#tpu.dimension_semantics<arbitrary>], iteration_bounds = array<i64: 16>, scalar_prefetch = 0 : i64, scratch_operands = 1 : i64, tpu.core_type = #tpu.core_type<tc>, window_params = [{transform_indices = @transform_0, window_bounds = array<i64: 128, 2048>}, {pipeline_mode = #tpu.pipeline_mode<synchronous>, transform_indices = @transform_1, window_bounds = array<i64: 2048, 1024>}, {pipeline_mode = #tpu.pipeline_mode<synchronous>, transform_indices = @transform_2, window_bounds = array<i64: 1, 1024>}, {pipeline_mode = #tpu.pipeline_mode<synchronous>, transform_indices = @transform_3, window_bounds = array<i64: 1, 1024>}, {pipeline_mode = #tpu.pipeline_mode<synchronous>, transform_indices = @transform_4, window_bounds = array<i64: 1, 1024>}, {pipeline_mode = #tpu.pipeline_mode<synchronous>, transform_indices = @transform_5, window_bounds = array<i64: 1024, 1024>}, {pipeline_mode = #tpu.pipeline_mode<synchronous>, transform_indices = @transform_6, window_bounds = array<i64: 1, 1024>}, {pipeline_mode = #tpu.pipeline_mode<synchronous>, transform_indices = @transform_7, window_bounds = array<i64: 1024, 256>}, {pipeline_mode = #tpu.pipeline_mode<synchronous>, transform_indices = @transform_8, window_bounds = array<i64: 1, 256>}, {pipeline_mode = #tpu.pipeline_mode<synchronous>, transform_indices = @transform_9, window_bounds = array<i64: 256, 16>}, {pipeline_mode = #tpu.pipeline_mode<synchronous>, transform_indices = @transform_10, window_bounds = array<i64: 1, 16>}, {transform_indices = @transform_11, window_bounds = array<i64: 128, 1024>}, {transform_indices = @transform_12, window_bounds = array<i64: 128, 2>}, {transform_indices = @transform_13, window_bounds = array<i64: 128, 2>}, {transform_indices = @transform_14, window_bounds = array<i64: 128, 2>}, {pipeline_mode = #tpu.pipeline_mode<synchronous>, transform_indices = @transform_15, window_bounds = array<i64: 1, 16>}, {pipeline_mode = #tpu.pipeline_mode<synchronous>, transform_indices = @transform_16, window_bounds = array<i64: 1, 16>}, {pipeline_mode = #tpu.pipeline_mode<synchronous>, transform_indices = @transform_17, window_bounds = array<i64: 1, 1>}]} {
    %eq3A = arith.constant 0 : i32
    %eq3A_0 = arith.cmpi eq, %arg0, %eq3A : i32
    %convert_element_type3A = arith.extui %eq3A_0 : i1 to i32
    %cond3A = arith.constant 0 : i32
    %cond3A_1 = arith.cmpi ne, %convert_element_type3A, %cond3A : i32
    scf.if %cond3A_1 {
      %broadcast_in_dim3A_209 = arith.constant 0.000000e+00 : f32
      %broadcast_in_dim3A_210 = vector.broadcast %broadcast_in_dim3A_209 : f32 to vector<4x16xf32>
      %swap3A_211 = arith.constant 0 : index
      %swap3A_212 = arith.constant 0 : index
      %swap3A_213 = vector.load %arg19[%swap3A_211, %swap3A_212] : memref<4x16xf32, #tpu.memory_space<vmem>>, vector<4x16xf32>
      tpu.vector_store %arg19[%swap3A_211, %swap3A_212], %broadcast_in_dim3A_210 {strides = array<i32>} : memref<4x16xf32, #tpu.memory_space<vmem>>, vector<4x16xf32>,
    } else {
    }
    %get3A = arith.constant 0 : index
    %get3A_2 = arith.constant 0 : index
    %get3A_3 = vector.load %arg1[%get3A, %get3A_2] : memref<128x2048xf32, #tpu.memory_space<vmem>>, vector<128x2048xf32>
    %get3A_4 = arith.constant 0 : index
    %get3A_5 = arith.constant 0 : index
    %get3A_6 = vector.load %arg2[%get3A_4, %get3A_5] : memref<2048x1024xf32, #tpu.memory_space<vmem>>, vector<2048x1024xf32>
    %dot_general3A = arith.constant dense<0.000000e+00> : vector<128x1024xf32>
    %dot_general3A_7 = tpu.matmul %get3A_3, %get3A_6, %dot_general3A {dimension_numbers = #tpu.dot_dimension_numbers<[1], [0], [0], [1], [0, 0, 1, 1], [], []>, transpose_lhs_hint = false} : vector<128x2048xf32>, vector<2048x1024xf32>, vector<128x1024xf32> -> vector<128x1024xf32>
    %get3A_8 = arith.constant 0 : index
    %get3A_9 = arith.constant 0 : index
    %get3A_10 = vector.load %arg3[%get3A_8, %get3A_9] : memref<1x1024xf32, #tpu.memory_space<vmem>>, vector<1x1024xf32>
    %add3A = vector.broadcast %get3A_10 : vector<1x1024xf32> to vector<128x1024xf32>
    %add3A_11 = arith.addf %dot_general3A_7, %add3A : vector<128x1024xf32>
    %reduce_sum3A = arith.constant dense<0.000000e+00> : vector<128xf32>
    %reduce_sum3A_12 = vector.multi_reduction <add>, %add3A_11, %reduce_sum3A [1] : vector<128x1024xf32> to vector<128xf32>
    %broadcast_in_dim3A = vector.shape_cast %reduce_sum3A_12 : vector<128xf32> to vector<128x1xf32>
    %div3A = arith.constant 1.024000e+03 : f32
    %div3A_13 = vector.broadcast %div3A : f32 to vector<128x1xf32>
    %div3A_14 = arith.divf %broadcast_in_dim3A, %div3A_13 : vector<128x1xf32>
    %sub3A = vector.broadcast %div3A_14 : vector<128x1xf32> to vector<128x1024xf32>
    %sub3A_15 = arith.subf %add3A_11, %sub3A : vector<128x1024xf32>
    %integer_pow3A = arith.mulf %sub3A_15, %sub3A_15 : vector<128x1024xf32>
    %reduce_sum3A_16 = arith.constant dense<0.000000e+00> : vector<128xf32>
    %reduce_sum3A_17 = vector.multi_reduction <add>, %integer_pow3A, %reduce_sum3A_16 [1] : vector<128x1024xf32> to vector<128xf32>
    %broadcast_in_dim3A_18 = vector.shape_cast %reduce_sum3A_17 : vector<128xf32> to vector<128x1xf32>
    %div3A_19 = arith.constant 1.024000e+03 : f32
    %div3A_20 = vector.broadcast %div3A_19 : f32 to vector<128x1xf32>
    %div3A_21 = arith.divf %broadcast_in_dim3A_18, %div3A_20 : vector<128x1xf32>
    %sub3A_22 = vector.broadcast %div3A_14 : vector<128x1xf32> to vector<128x1024xf32>
    %sub3A_23 = arith.subf %add3A_11, %sub3A_22 : vector<128x1024xf32>
    %add3A_24 = arith.constant 9.99999974E-6 : f32
    %add3A_25 = vector.broadcast %add3A_24 : f32 to vector<128x1xf32>
    %add3A_26 = arith.addf %div3A_21, %add3A_25 : vector<128x1xf32>
    %sqrt3A = math.sqrt %add3A_26 : vector<128x1xf32>
    %div3A_27 = vector.broadcast %sqrt3A : vector<128x1xf32> to vector<128x1024xf32>
    %div3A_28 = arith.divf %sub3A_23, %div3A_27 : vector<128x1024xf32>
    %get3A_29 = arith.constant 0 : index
    %get3A_30 = arith.constant 0 : index
    %get3A_31 = vector.load %arg4[%get3A_29, %get3A_30] : memref<1x1024xf32, #tpu.memory_space<vmem>>, vector<1x1024xf32>
    %mul3A = vector.broadcast %get3A_31 : vector<1x1024xf32> to vector<128x1024xf32>
    %mul3A_32 = arith.mulf %div3A_28, %mul3A : vector<128x1024xf32>
    %get3A_33 = arith.constant 0 : index
    %get3A_34 = arith.constant 0 : index
    %get3A_35 = vector.load %arg5[%get3A_33, %get3A_34] : memref<1x1024xf32, #tpu.memory_space<vmem>>, vector<1x1024xf32>
    %add3A_36 = vector.broadcast %get3A_35 : vector<1x1024xf32> to vector<128x1024xf32>
    %add3A_37 = arith.addf %mul3A_32, %add3A_36 : vector<128x1024xf32>
    %tanh3A = math.tanh %add3A_37 : vector<128x1024xf32>
    %get3A_38 = arith.constant 0 : index
    %get3A_39 = arith.constant 0 : index
    %get3A_40 = vector.load %arg6[%get3A_38, %get3A_39] : memref<1024x1024xf32, #tpu.memory_space<vmem>>, vector<1024x1024xf32>
    %dot_general3A_41 = arith.constant dense<0.000000e+00> : vector<128x1024xf32>
    %dot_general3A_42 = tpu.matmul %tanh3A, %get3A_40, %dot_general3A_41 {dimension_numbers = #tpu.dot_dimension_numbers<[1], [0], [0], [1], [0, 0, 1, 1], [], []>, transpose_lhs_hint = false} : vector<128x1024xf32>, vector<1024x1024xf32>, vector<128x1024xf32> -> vector<128x1024xf32>
    %get3A_43 = arith.constant 0 : index
    %get3A_44 = arith.constant 0 : index
    %get3A_45 = vector.load %arg7[%get3A_43, %get3A_44] : memref<1x1024xf32, #tpu.memory_space<vmem>>, vector<1x1024xf32>
    %add3A_46 = vector.broadcast %get3A_45 : vector<1x1024xf32> to vector<128x1024xf32>
    %add3A_47 = arith.addf %dot_general3A_42, %add3A_46 : vector<128x1024xf32>
    %max3A = arith.constant 0.000000e+00 : f32
    %max3A_48 = vector.broadcast %max3A : f32 to vector<128x1024xf32>
    %max3A_49 = arith.maximumf %add3A_47, %max3A_48 : vector<128x1024xf32>
    %swap3A = arith.constant 0 : index
    %swap3A_50 = arith.constant 0 : index
    %swap3A_51 = vector.load %arg12[%swap3A, %swap3A_50] : memref<128x1024xf32, #tpu.memory_space<vmem>>, vector<128x1024xf32>
    tpu.vector_store %arg12[%swap3A, %swap3A_50], %max3A_49 {strides = array<i32>} : memref<128x1024xf32, #tpu.memory_space<vmem>>, vector<128x1024xf32>,
    %get3A_52 = arith.constant 0 : index
    %get3A_53 = arith.constant 0 : index
    %get3A_54 = vector.load %arg8[%get3A_52, %get3A_53] : memref<1024x256xf32, #tpu.memory_space<vmem>>, vector<1024x256xf32>
    %dot_general3A_55 = arith.constant dense<0.000000e+00> : vector<128x256xf32>
    %dot_general3A_56 = tpu.matmul %max3A_49, %get3A_54, %dot_general3A_55 {dimension_numbers = #tpu.dot_dimension_numbers<[1], [0], [0], [1], [0, 0, 1, 1], [], []>, transpose_lhs_hint = false} : vector<128x1024xf32>, vector<1024x256xf32>, vector<128x256xf32> -> vector<128x256xf32>
    %get3A_57 = arith.constant 0 : index
    %get3A_58 = arith.constant 0 : index
    %get3A_59 = vector.load %arg9[%get3A_57, %get3A_58] : memref<1x256xf32, #tpu.memory_space<vmem>>, vector<1x256xf32>
    %add3A_60 = vector.broadcast %get3A_59 : vector<1x256xf32> to vector<128x256xf32>
    %add3A_61 = arith.addf %dot_general3A_56, %add3A_60 : vector<128x256xf32>
    %max3A_62 = arith.constant 0.000000e+00 : f32
    %max3A_63 = vector.broadcast %max3A_62 : f32 to vector<128x256xf32>
    %max3A_64 = arith.maximumf %add3A_61, %max3A_63 : vector<128x256xf32>
    %get3A_65 = arith.constant 0 : index
    %get3A_66 = arith.constant 0 : index
    %get3A_67 = vector.load %arg10[%get3A_65, %get3A_66] : memref<256x16xf32, #tpu.memory_space<vmem>>, vector<256x16xf32>
    %dot_general3A_68 = arith.constant dense<0.000000e+00> : vector<128x16xf32>
    %dot_general3A_69 = tpu.matmul %max3A_64, %get3A_67, %dot_general3A_68 {dimension_numbers = #tpu.dot_dimension_numbers<[1], [0], [0], [1], [0, 0, 1, 1], [], []>, transpose_lhs_hint = false} : vector<128x256xf32>, vector<256x16xf32>, vector<128x16xf32> -> vector<128x16xf32>
    %get3A_70 = arith.constant 0 : index
    %get3A_71 = arith.constant 0 : index
    %get3A_72 = vector.load %arg11[%get3A_70, %get3A_71] : memref<1x16xf32, #tpu.memory_space<vmem>>, vector<1x16xf32>
    %add3A_73 = vector.broadcast %get3A_72 : vector<1x16xf32> to vector<128x16xf32>
    %add3A_74 = arith.addf %dot_general3A_69, %add3A_73 : vector<128x16xf32>
    %reduce_max3A = arith.constant dense<0xFF800000> : vector<128xf32>
    %reduce_max3A_75 = vector.multi_reduction <maximumf>, %add3A_74, %reduce_max3A [1] : vector<128x16xf32> to vector<128xf32>
    %broadcast_in_dim3A_76 = vector.shape_cast %reduce_max3A_75 : vector<128xf32> to vector<128x1xf32>
    %sub3A_77 = vector.broadcast %broadcast_in_dim3A_76 : vector<128x1xf32> to vector<128x16xf32>
    %sub3A_78 = arith.subf %add3A_74, %sub3A_77 : vector<128x16xf32>
    %exp3A = math.exp %sub3A_78 : vector<128x16xf32>
    %reduce_sum3A_79 = arith.constant dense<0.000000e+00> : vector<128xf32>
    %reduce_sum3A_80 = vector.multi_reduction <add>, %exp3A, %reduce_sum3A_79 [1] : vector<128x16xf32> to vector<128xf32>
    %broadcast_in_dim3A_81 = vector.shape_cast %reduce_sum3A_80 : vector<128xf32> to vector<128x1xf32>
    %div3A_82 = vector.broadcast %broadcast_in_dim3A_81 : vector<128x1xf32> to vector<128x16xf32>
    %div3A_83 = arith.divf %exp3A, %div3A_82 : vector<128x16xf32>
    %iota3A = tpu.iota {dimensions = array<i32: 1>} : vector<128x16xi32>
    %convert_element_type3A_84 = arith.sitofp %iota3A : vector<128x16xi32> to vector<128x16xf32>
    %reduce_max3A_85 = arith.constant dense<0xFF800000> : vector<128xf32>
    %reduce_max3A_86 = vector.multi_reduction <maximumf>, %div3A_83, %reduce_max3A_85 [1] : vector<128x16xf32> to vector<128xf32>
    %broadcast_in_dim3A_87 = vector.shape_cast %reduce_max3A_86 : vector<128xf32> to vector<128x1xf32>
    %eq3A_88 = vector.broadcast %broadcast_in_dim3A_87 : vector<128x1xf32> to vector<128x16xf32>
    %eq3A_89 = arith.cmpf oeq, %div3A_83, %eq3A_88 : vector<128x16xf32>
    %jit3A = arith.constant 1.600000e+01 : f32
    %broadcast_in_dim3A_90 = vector.broadcast %jit3A : f32 to vector<128x16xf32>
    %select_n3A = arith.select %eq3A_89, %convert_element_type3A_84, %broadcast_in_dim3A_90 : vector<128x16xi1>, vector<128x16xf32>
    %reduce_min3A = arith.constant dense<0x7F800000> : vector<128xf32>
    %reduce_min3A_91 = vector.multi_reduction <minimumf>, %select_n3A, %reduce_min3A [1] : vector<128x16xf32> to vector<128xf32>
    %broadcast_in_dim3A_92 = vector.shape_cast %reduce_min3A_91 : vector<128xf32> to vector<128x1xf32>
    %eq3A_93 = vector.broadcast %broadcast_in_dim3A_92 : vector<128x1xf32> to vector<128x16xf32>
    %eq3A_94 = arith.cmpf oeq, %convert_element_type3A_84, %eq3A_93 : vector<128x16xf32>
    %jit3A_95 = arith.constant 0xFF800000 : f32
    %broadcast_in_dim3A_96 = vector.broadcast %jit3A_95 : f32 to vector<128x16xf32>
    %select_n3A_97 = arith.select %eq3A_94, %broadcast_in_dim3A_96, %div3A_83 : vector<128x16xi1>, vector<128x16xf32>
    %reduce_max3A_98 = arith.constant dense<0xFF800000> : vector<128xf32>
    %reduce_max3A_99 = vector.multi_reduction <maximumf>, %select_n3A_97, %reduce_max3A_98 [1] : vector<128x16xf32> to vector<128xf32>
    %broadcast_in_dim3A_100 = vector.shape_cast %reduce_max3A_99 : vector<128xf32> to vector<128x1xf32>
    %eq3A_101 = vector.broadcast %broadcast_in_dim3A_100 : vector<128x1xf32> to vector<128x16xf32>
    %eq3A_102 = arith.cmpf oeq, %select_n3A_97, %eq3A_101 : vector<128x16xf32>
    %jit3A_103 = arith.constant 1.600000e+01 : f32
    %broadcast_in_dim3A_104 = vector.broadcast %jit3A_103 : f32 to vector<128x16xf32>
    %select_n3A_105 = arith.select %eq3A_102, %convert_element_type3A_84, %broadcast_in_dim3A_104 : vector<128x16xi1>, vector<128x16xf32>
    %reduce_min3A_106 = arith.constant dense<0x7F800000> : vector<128xf32>
    %reduce_min3A_107 = vector.multi_reduction <minimumf>, %select_n3A_105, %reduce_min3A_106 [1] : vector<128x16xf32> to vector<128xf32>
    %broadcast_in_dim3A_108 = vector.shape_cast %reduce_min3A_107 : vector<128xf32> to vector<128x1xf32>
    %eq3A_109 = vector.broadcast %broadcast_in_dim3A_108 : vector<128x1xf32> to vector<128x16xf32>
    %eq3A_110 = arith.cmpf oeq, %convert_element_type3A_84, %eq3A_109 : vector<128x16xf32>
    %add3A_111 = arith.addf %broadcast_in_dim3A_87, %broadcast_in_dim3A_100 : vector<128x1xf32>
    %add3A_112 = arith.constant 9.99999971E-10 : f32
    %add3A_113 = vector.broadcast %add3A_112 : f32 to vector<128x1xf32>
    %add3A_114 = arith.addf %add3A_111, %add3A_113 : vector<128x1xf32>
    %div3A_115 = arith.divf %broadcast_in_dim3A_87, %add3A_114 : vector<128x1xf32>
    %div3A_116 = arith.divf %broadcast_in_dim3A_100, %add3A_114 : vector<128x1xf32>
    %convert_element_type3A_117 = arith.extui %eq3A_94 : vector<128x16xi1> to vector<128x16xi32>
    %convert_element_type3A_118 = arith.sitofp %convert_element_type3A_117 : vector<128x16xi32> to vector<128x16xf32>
    %convert_element_type3A_119 = arith.extui %eq3A_110 : vector<128x16xi1> to vector<128x16xi32>
    %convert_element_type3A_120 = arith.sitofp %convert_element_type3A_119 : vector<128x16xi32> to vector<128x16xf32>
    %iota3A_121 = tpu.iota {dimensions = array<i32: 1>} : vector<128x128xi32>
    %iota3A_122 = tpu.iota {dimensions = array<i32: 0>} : vector<128x128xi32>
    %lt3A = arith.cmpi slt, %iota3A_121, %iota3A_122 : vector<128x128xi32>
    %convert_element_type3A_123 = arith.extui %lt3A : vector<128x128xi1> to vector<128x128xi32>
    %convert_element_type3A_124 = arith.sitofp %convert_element_type3A_123 : vector<128x128xi32> to vector<128x128xf32>
    %dot_general3A_125 = arith.constant dense<0.000000e+00> : vector<128x16xf32>
    %dot_general3A_126 = tpu.matmul %convert_element_type3A_124, %convert_element_type3A_118, %dot_general3A_125 {dimension_numbers = #tpu.dot_dimension_numbers<[1], [0], [0], [1], [0, 0, 1, 1], [], []>, transpose_lhs_hint = false} : vector<128x128xf32>, vector<128x16xf32>, vector<128x16xf32> -> vector<128x16xf32>
    %dot_general3A_127 = arith.constant dense<0.000000e+00> : vector<128x16xf32>
    %dot_general3A_128 = tpu.matmul %convert_element_type3A_124, %convert_element_type3A_120, %dot_general3A_127 {dimension_numbers = #tpu.dot_dimension_numbers<[1], [0], [0], [1], [0, 0, 1, 1], [], []>, transpose_lhs_hint = false} : vector<128x128xf32>, vector<128x16xf32>, vector<128x16xf32> -> vector<128x16xf32>
    %reduce_sum3A_129 = arith.constant dense<0.000000e+00> : vector<16xf32>
    %reduce_sum3A_130 = vector.multi_reduction <add>, %convert_element_type3A_118, %reduce_sum3A_129 [0] : vector<128x16xf32> to vector<16xf32>
    %broadcast_in_dim3A_131 = vector.shape_cast %reduce_sum3A_130 : vector<16xf32> to vector<1x16xf32>
    %reduce_sum3A_132 = arith.constant dense<0.000000e+00> : vector<16xf32>
    %reduce_sum3A_133 = vector.multi_reduction <add>, %convert_element_type3A_120, %reduce_sum3A_132 [0] : vector<128x16xf32> to vector<16xf32>
    %broadcast_in_dim3A_134 = vector.shape_cast %reduce_sum3A_133 : vector<16xf32> to vector<1x16xf32>
    %get3A_135 = arith.constant 0 : index
    %get3A_136 = arith.constant 0 : index
    %get3A_137 = vector.load %arg19[%get3A_135, %get3A_136] : memref<4x16xf32, #tpu.memory_space<vmem>>, vector<1x16xf32>
    %add3A_138 = vector.broadcast %get3A_137 : vector<1x16xf32> to vector<128x16xf32>
    %add3A_139 = arith.addf %dot_general3A_126, %add3A_138 : vector<128x16xf32>
    %mul3A_140 = arith.mulf %convert_element_type3A_118, %add3A_139 : vector<128x16xf32>
    %reduce_sum3A_141 = arith.constant dense<0.000000e+00> : vector<128xf32>
    %reduce_sum3A_142 = vector.multi_reduction <add>, %mul3A_140, %reduce_sum3A_141 [1] : vector<128x16xf32> to vector<128xf32>
    %broadcast_in_dim3A_143 = vector.shape_cast %reduce_sum3A_142 : vector<128xf32> to vector<128x1xf32>
    %add3A_144 = vector.broadcast %broadcast_in_dim3A_131 : vector<1x16xf32> to vector<128x16xf32>
    %add3A_145 = arith.addf %dot_general3A_128, %add3A_144 : vector<128x16xf32>
    %add3A_146 = vector.broadcast %get3A_137 : vector<1x16xf32> to vector<128x16xf32>
    %add3A_147 = arith.addf %add3A_145, %add3A_146 : vector<128x16xf32>
    %mul3A_148 = arith.mulf %convert_element_type3A_120, %add3A_147 : vector<128x16xf32>
    %reduce_sum3A_149 = arith.constant dense<0.000000e+00> : vector<128xf32>
    %reduce_sum3A_150 = vector.multi_reduction <add>, %mul3A_148, %reduce_sum3A_149 [1] : vector<128x16xf32> to vector<128xf32>
    %broadcast_in_dim3A_151 = vector.shape_cast %reduce_sum3A_150 : vector<128xf32> to vector<128x1xf32>
    %concatenate3A = tpu.concatenate %broadcast_in_dim3A_92, %broadcast_in_dim3A_108 in 1 : vector<128x1xf32>, vector<128x1xf32> -> vector<128x2xf32>
    %convert_element_type3A_152 = arith.fptosi %concatenate3A : vector<128x2xf32> to vector<128x2xi32>
    %swap3A_153 = arith.constant 0 : index
    %swap3A_154 = arith.constant 0 : index
    %swap3A_155 = vector.load %arg13[%swap3A_153, %swap3A_154] : memref<128x2xi32, #tpu.memory_space<vmem>>, vector<128x2xi32>
    tpu.vector_store %arg13[%swap3A_153, %swap3A_154], %convert_element_type3A_152 {strides = array<i32>} : memref<128x2xi32, #tpu.memory_space<vmem>>, vector<128x2xi32>,
    %concatenate3A_156 = tpu.concatenate %div3A_115, %div3A_116 in 1 : vector<128x1xf32>, vector<128x1xf32> -> vector<128x2xf32>
    %swap3A_157 = arith.constant 0 : index
    %swap3A_158 = arith.constant 0 : index
    %swap3A_159 = vector.load %arg14[%swap3A_157, %swap3A_158] : memref<128x2xf32, #tpu.memory_space<vmem>>, vector<128x2xf32>
    tpu.vector_store %arg14[%swap3A_157, %swap3A_158], %concatenate3A_156 {strides = array<i32>} : memref<128x2xf32, #tpu.memory_space<vmem>>, vector<128x2xf32>,
    %concatenate3A_160 = tpu.concatenate %broadcast_in_dim3A_143, %broadcast_in_dim3A_151 in 1 : vector<128x1xf32>, vector<128x1xf32> -> vector<128x2xf32>
    %convert_element_type3A_161 = arith.fptosi %concatenate3A_160 : vector<128x2xf32> to vector<128x2xi32>
    %swap3A_162 = arith.constant 0 : index
    %swap3A_163 = arith.constant 0 : index
    %swap3A_164 = vector.load %arg15[%swap3A_162, %swap3A_163] : memref<128x2xi32, #tpu.memory_space<vmem>>, vector<128x2xi32>
    tpu.vector_store %arg15[%swap3A_162, %swap3A_163], %convert_element_type3A_161 {strides = array<i32>} : memref<128x2xi32, #tpu.memory_space<vmem>>, vector<128x2xi32>,
    %add3A_165 = arith.addf %get3A_137, %broadcast_in_dim3A_131 : vector<1x16xf32>
    %add3A_166 = arith.addf %add3A_165, %broadcast_in_dim3A_134 : vector<1x16xf32>
    %swap3A_167 = arith.constant 0 : index
    %swap3A_168 = arith.constant 0 : index
    %swap3A_169 = vector.load %arg19[%swap3A_167, %swap3A_168] : memref<4x16xf32, #tpu.memory_space<vmem>>, vector<1x16xf32>
    tpu.vector_store %arg19[%swap3A_167, %swap3A_168], %add3A_166 {strides = array<i32>} : memref<4x16xf32, #tpu.memory_space<vmem>>, vector<1x16xf32>,
    %get3A_170 = arith.constant 1 : index
    %get3A_171 = arith.constant 0 : index
    %get3A_172 = vector.load %arg19[%get3A_170, %get3A_171] : memref<4x16xf32, #tpu.memory_space<vmem>>, vector<1x16xf32>
    %reduce_sum3A_173 = arith.constant dense<0.000000e+00> : vector<16xf32>
    %reduce_sum3A_174 = vector.multi_reduction <add>, %div3A_83, %reduce_sum3A_173 [0] : vector<128x16xf32> to vector<16xf32>
    %broadcast_in_dim3A_175 = vector.shape_cast %reduce_sum3A_174 : vector<16xf32> to vector<1x16xf32>
    %add3A_176 = arith.addf %get3A_172, %broadcast_in_dim3A_175 : vector<1x16xf32>
    %swap3A_177 = arith.constant 1 : index
    %swap3A_178 = arith.constant 0 : index
    %swap3A_179 = vector.load %arg19[%swap3A_177, %swap3A_178] : memref<4x16xf32, #tpu.memory_space<vmem>>, vector<1x16xf32>
    tpu.vector_store %arg19[%swap3A_177, %swap3A_178], %add3A_176 {strides = array<i32>} : memref<4x16xf32, #tpu.memory_space<vmem>>, vector<1x16xf32>,
    %gt3A = arith.constant 0.000000e+00 : f32
    %gt3A_180 = vector.broadcast %gt3A : f32 to vector<128x1xf32>
    %gt3A_181 = arith.cmpf ogt, %div3A_115, %gt3A_180 : vector<128x1xf32>
    %convert_element_type3A_182 = arith.extui %gt3A_181 : vector<128x1xi1> to vector<128x1xi32>
    %convert_element_type3A_183 = arith.sitofp %convert_element_type3A_182 : vector<128x1xi32> to vector<128x1xf32>
    %mul3A_184 = vector.broadcast %convert_element_type3A_183 : vector<128x1xf32> to vector<128x16xf32>
    %mul3A_185 = arith.mulf %convert_element_type3A_118, %mul3A_184 : vector<128x16xf32>
    %gt3A_186 = arith.constant 0.000000e+00 : f32
    %gt3A_187 = vector.broadcast %gt3A_186 : f32 to vector<128x1xf32>
    %gt3A_188 = arith.cmpf ogt, %div3A_116, %gt3A_187 : vector<128x1xf32>
    %convert_element_type3A_189 = arith.extui %gt3A_188 : vector<128x1xi1> to vector<128x1xi32>
    %convert_element_type3A_190 = arith.sitofp %convert_element_type3A_189 : vector<128x1xi32> to vector<128x1xf32>
    %mul3A_191 = vector.broadcast %convert_element_type3A_190 : vector<128x1xf32> to vector<128x16xf32>
    %mul3A_192 = arith.mulf %convert_element_type3A_120, %mul3A_191 : vector<128x16xf32>
    %add3A_193 = arith.addf %mul3A_185, %mul3A_192 : vector<128x16xf32>
    %get3A_194 = arith.constant 2 : index
    %get3A_195 = arith.constant 0 : index
    %get3A_196 = vector.load %arg19[%get3A_194, %get3A_195] : memref<4x16xf32, #tpu.memory_space<vmem>>, vector<1x16xf32>
    %reduce_sum3A_197 = arith.constant dense<0.000000e+00> : vector<16xf32>
    %reduce_sum3A_198 = vector.multi_reduction <add>, %add3A_193, %reduce_sum3A_197 [0] : vector<128x16xf32> to vector<16xf32>
    %broadcast_in_dim3A_199 = vector.shape_cast %reduce_sum3A_198 : vector<16xf32> to vector<1x16xf32>
    %add3A_200 = arith.addf %get3A_196, %broadcast_in_dim3A_199 : vector<1x16xf32>
    %swap3A_201 = arith.constant 2 : index
    %swap3A_202 = arith.constant 0 : index
    %swap3A_203 = vector.load %arg19[%swap3A_201, %swap3A_202] : memref<4x16xf32, #tpu.memory_space<vmem>>, vector<1x16xf32>
    tpu.vector_store %arg19[%swap3A_201, %swap3A_202], %add3A_200 {strides = array<i32>} : memref<4x16xf32, #tpu.memory_space<vmem>>, vector<1x16xf32>,
    %eq3A_204 = arith.constant 15 : i32
    %eq3A_205 = arith.cmpi eq, %arg0, %eq3A_204 : i32
    %convert_element_type3A_206 = arith.extui %eq3A_205 : i1 to i32
    %cond3A_207 = arith.constant 0 : i32
    %cond3A_208 = arith.cmpi ne, %convert_element_type3A_206, %cond3A_207 : i32
    scf.if %cond3A_208 {
      %get3A_209 = arith.constant 0 : index
      %get3A_210 = arith.constant 0 : index
      %get3A_211 = vector.load %arg19[%get3A_209, %get3A_210] : memref<4x16xf32, #tpu.memory_space<vmem>>, vector<1x16xf32>
      %convert_element_type3A_212 = arith.fptosi %get3A_211 : vector<1x16xf32> to vector<1x16xi32>
      %swap3A_213 = arith.constant 0 : index
      %swap3A_214 = arith.constant 0 : index
      %swap3A_215 = vector.load %arg16[%swap3A_213, %swap3A_214] : memref<1x16xi32, #tpu.memory_space<vmem>>, vector<1x16xi32>
      tpu.vector_store %arg16[%swap3A_213, %swap3A_214], %convert_element_type3A_212 {strides = array<i32>} : memref<1x16xi32, #tpu.memory_space<vmem>>, vector<1x16xi32>,
      %iota3A_216 = tpu.iota {dimensions = array<i32: 0>} : vector<16x16xi32>
      %iota3A_217 = tpu.iota {dimensions = array<i32: 1>} : vector<16x16xi32>
      %lt3A_218 = arith.cmpi slt, %iota3A_216, %iota3A_217 : vector<16x16xi32>
      %convert_element_type3A_219 = arith.extui %lt3A_218 : vector<16x16xi1> to vector<16x16xi32>
      %convert_element_type3A_220 = arith.sitofp %convert_element_type3A_219 : vector<16x16xi32> to vector<16x16xf32>
      %dot_general3A_221 = arith.constant dense<0.000000e+00> : vector<1x16xf32>
      %dot_general3A_222 = tpu.matmul %get3A_211, %convert_element_type3A_220, %dot_general3A_221 {dimension_numbers = #tpu.dot_dimension_numbers<[1], [0], [0], [1], [0, 0, 1, 1], [], []>, transpose_lhs_hint = false} : vector<1x16xf32>, vector<16x16xf32>, vector<1x16xf32> -> vector<1x16xf32>
      %convert_element_type3A_223 = arith.fptosi %dot_general3A_222 : vector<1x16xf32> to vector<1x16xi32>
      %swap3A_224 = arith.constant 0 : index
      %swap3A_225 = arith.constant 0 : index
      %swap3A_226 = vector.load %arg17[%swap3A_224, %swap3A_225] : memref<1x16xi32, #tpu.memory_space<vmem>>, vector<1x16xi32>
      tpu.vector_store %arg17[%swap3A_224, %swap3A_225], %convert_element_type3A_223 {strides = array<i32>} : memref<1x16xi32, #tpu.memory_space<vmem>>, vector<1x16xi32>,
      %get3A_227 = arith.constant 1 : index
      %get3A_228 = arith.constant 0 : index
      %get3A_229 = vector.load %arg19[%get3A_227, %get3A_228] : memref<4x16xf32, #tpu.memory_space<vmem>>, vector<1x16xf32>
      %mul3A_230 = arith.constant 4.8828125E-4 : f32
      %mul3A_231 = vector.broadcast %mul3A_230 : f32 to vector<1x16xf32>
      %mul3A_232 = arith.mulf %get3A_229, %mul3A_231 : vector<1x16xf32>
      %get3A_233 = arith.constant 2 : index
      %get3A_234 = arith.constant 0 : index
      %get3A_235 = vector.load %arg19[%get3A_233, %get3A_234] : memref<4x16xf32, #tpu.memory_space<vmem>>, vector<1x16xf32>
      %mul3A_236 = arith.constant 4.8828125E-4 : f32
      %mul3A_237 = vector.broadcast %mul3A_236 : f32 to vector<1x16xf32>
      %mul3A_238 = arith.mulf %get3A_235, %mul3A_237 : vector<1x16xf32>
      %mul3A_239 = arith.mulf %mul3A_232, %mul3A_238 : vector<1x16xf32>
      %reduce_sum3A_240 = vector.shape_cast %mul3A_239 : vector<1x16xf32> to vector<1x1x16xf32>
      %reduce_sum3A_241 = arith.constant dense<0.000000e+00> : vector<1xf32>
      %reduce_sum3A_242 = vector.multi_reduction <add>, %reduce_sum3A_240, %reduce_sum3A_241 [1, 2] : vector<1x1x16xf32> to vector<1xf32>
      %reduce_sum3A_243 = vector.shape_cast %reduce_sum3A_242 : vector<1xf32> to vector<1x1x1xf32>
      %reduce_sum3A_244 = vector.extract %reduce_sum3A_243[0, 0, 0] : f32 from vector<1x1x1xf32>
      %reshape3A = vector.broadcast %reduce_sum3A_244 : f32 to vector<1x1xf32>
      %mul3A_245 = arith.constant 1.600000e+01 : f32
      %mul3A_246 = vector.broadcast %mul3A_245 : f32 to vector<1x1xf32>
      %mul3A_247 = arith.mulf %reshape3A, %mul3A_246 : vector<1x1xf32>
      %swap3A_248 = arith.constant 0 : index
      %swap3A_249 = arith.constant 0 : index
      %swap3A_250 = vector.load %arg18[%swap3A_248, %swap3A_249] : memref<1x1xf32, #tpu.memory_space<vmem>>, vector<1x1xf32>
      tpu.vector_store %arg18[%swap3A_248, %swap3A_249], %mul3A_247 {strides = array<i32>} : memref<1x1xf32, #tpu.memory_space<vmem>>, vector<1x1xf32>,
    } else {
    }
    return
  }
  func.func @transform_0(%arg0: i32) -> (i32, i32) {
    %c0_i32 = arith.constant 0 : i32
    %c0_i32_0 = arith.constant 0 : i32
    return %arg0, %c0_i32 : i32, i32
  }
  func.func @transform_1(%arg0: i32) -> (i32, i32) {
    %c0_i32 = arith.constant 0 : i32
    %c0_i32_0 = arith.constant 0 : i32
    %c0_i32_1 = arith.constant 0 : i32
    return %c0_i32, %c0_i32_0 : i32, i32
  }
  func.func @transform_2(%arg0: i32) -> (i32, i32) {
    %c0_i32 = arith.constant 0 : i32
    %c0_i32_0 = arith.constant 0 : i32
    %c0_i32_1 = arith.constant 0 : i32
    return %c0_i32, %c0_i32_0 : i32, i32
  }
  func.func @transform_3(%arg0: i32) -> (i32, i32) {
    %c0_i32 = arith.constant 0 : i32
    %c0_i32_0 = arith.constant 0 : i32
    %c0_i32_1 = arith.constant 0 : i32
    return %c0_i32, %c0_i32_0 : i32, i32
  }
  func.func @transform_4(%arg0: i32) -> (i32, i32) {
    %c0_i32 = arith.constant 0 : i32
    %c0_i32_0 = arith.constant 0 : i32
    %c0_i32_1 = arith.constant 0 : i32
    return %c0_i32, %c0_i32_0 : i32, i32
  }
  func.func @transform_5(%arg0: i32) -> (i32, i32) {
    %c0_i32 = arith.constant 0 : i32
    %c0_i32_0 = arith.constant 0 : i32
    %c0_i32_1 = arith.constant 0 : i32
    return %c0_i32, %c0_i32_0 : i32, i32
  }
  func.func @transform_6(%arg0: i32) -> (i32, i32) {
    %c0_i32 = arith.constant 0 : i32
    %c0_i32_0 = arith.constant 0 : i32
    %c0_i32_1 = arith.constant 0 : i32
    return %c0_i32, %c0_i32_0 : i32, i32
  }
  func.func @transform_7(%arg0: i32) -> (i32, i32) {
    %c0_i32 = arith.constant 0 : i32
    %c0_i32_0 = arith.constant 0 : i32
    %c0_i32_1 = arith.constant 0 : i32
    return %c0_i32, %c0_i32_0 : i32, i32
  }
  func.func @transform_8(%arg0: i32) -> (i32, i32) {
    %c0_i32 = arith.constant 0 : i32
    %c0_i32_0 = arith.constant 0 : i32
    %c0_i32_1 = arith.constant 0 : i32
    return %c0_i32, %c0_i32_0 : i32, i32
  }
  func.func @transform_9(%arg0: i32) -> (i32, i32) {
    %c0_i32 = arith.constant 0 : i32
    %c0_i32_0 = arith.constant 0 : i32
    %c0_i32_1 = arith.constant 0 : i32
    return %c0_i32, %c0_i32_0 : i32, i32
  }
  func.func @transform_10(%arg0: i32) -> (i32, i32) {
    %c0_i32 = arith.constant 0 : i32
    %c0_i32_0 = arith.constant 0 : i32
    %c0_i32_1 = arith.constant 0 : i32
    return %c0_i32, %c0_i32_0 : i32, i32
  }
  func.func @transform_11(%arg0: i32) -> (i32, i32) {
    %c0_i32 = arith.constant 0 : i32
    %c0_i32_0 = arith.constant 0 : i32
    return %arg0, %c0_i32 : i32, i32
  }
  func.func @transform_12(%arg0: i32) -> (i32, i32) {
    %c0_i32 = arith.constant 0 : i32
    %c0_i32_0 = arith.constant 0 : i32
    return %arg0, %c0_i32 : i32, i32
  }
  func.func @transform_13(%arg0: i32) -> (i32, i32) {
    %c0_i32 = arith.constant 0 : i32
    %c0_i32_0 = arith.constant 0 : i32
    return %arg0, %c0_i32 : i32, i32
  }
  func.func @transform_14(%arg0: i32) -> (i32, i32) {
    %c0_i32 = arith.constant 0 : i32
    %c0_i32_0 = arith.constant 0 : i32
    return %arg0, %c0_i32 : i32, i32
  }
  func.func @transform_15(%arg0: i32) -> (i32, i32) {
    %c0_i32 = arith.constant 0 : i32
    %c0_i32_0 = arith.constant 0 : i32
    %c0_i32_1 = arith.constant 0 : i32
    return %c0_i32, %c0_i32_0 : i32, i32
  }
  func.func @transform_16(%arg0: i32) -> (i32, i32) {
    %c0_i32 = arith.constant 0 : i32
    %c0_i32_0 = arith.constant 0 : i32
    %c0_i32_1 = arith.constant 0 : i32
    return %c0_i32, %c0_i32_0 : i32, i32
  }
  func.func @transform_17(%arg0: i32) -> (i32, i32) {
    %c0_i32 = arith.constant 0 : i32
    %c0_i32_0 = arith.constant 0 : i32
    %c0_i32_1 = arith.constant 0 : i32
    return %c0_i32, %c0_i32_0 : i32, i32
  }
}

module attributes {stable_mosaic.version = 14 : i64} {
  func.func @_inv_kernel(%arg0: i32, %arg1: memref<128x2xi32, #tpu.memory_space<vmem>>, %arg2: memref<1x4096xi32, #tpu.memory_space<vmem>>, %arg3: memref<1x4096xf32, #tpu.memory_space<vmem>>) attributes {dimension_semantics = [#tpu.dimension_semantics<arbitrary>], iteration_bounds = array<i64: 16>, scalar_prefetch = 0 : i64, scratch_operands = 1 : i64, tpu.core_type = #tpu.core_type<tc>, window_params = [{transform_indices = @transform_0, window_bounds = array<i64: 128, 2>}, {pipeline_mode = #tpu.pipeline_mode<synchronous>, transform_indices = @transform_1, window_bounds = array<i64: 1, 4096>}]} {
    %eq3A = arith.constant 0 : i32
    %eq3A_0 = arith.cmpi eq, %arg0, %eq3A : i32
    %convert_element_type3A = arith.extui %eq3A_0 : i1 to i32
    %cond3A = arith.constant 0 : i32
    %cond3A_1 = arith.cmpi ne, %convert_element_type3A, %cond3A : i32
    scf.if %cond3A_1 {
      %broadcast_in_dim3A_34 = arith.constant 0.000000e+00 : f32
      %broadcast_in_dim3A_35 = vector.broadcast %broadcast_in_dim3A_34 : f32 to vector<1x4096xf32>
      %swap3A_36 = arith.constant 0 : index
      %swap3A_37 = arith.constant 0 : index
      %swap3A_38 = vector.load %arg3[%swap3A_36, %swap3A_37] : memref<1x4096xf32, #tpu.memory_space<vmem>>, vector<1x4096xf32>
      tpu.vector_store %arg3[%swap3A_36, %swap3A_37], %broadcast_in_dim3A_35 {strides = array<i32>} : memref<1x4096xf32, #tpu.memory_space<vmem>>, vector<1x4096xf32>,
    } else {
    }
    %iota3A = tpu.iota {dimensions = array<i32: 1>} : vector<128x4096xi32>
    %mul3A = arith.constant 128 : i32
    %mul3A_2 = arith.muli %arg0, %mul3A : i32
    %iota3A_3 = tpu.iota {dimensions = array<i32: 0>} : vector<128x1xi32>
    %add3A = vector.broadcast %mul3A_2 : i32 to vector<128x1xi32>
    %add3A_4 = arith.addi %add3A, %iota3A_3 : vector<128x1xi32>
    %get3A = arith.constant 0 : index
    %get3A_5 = arith.constant 0 : index
    %get3A_6 = vector.load %arg1[%get3A, %get3A_5] : memref<128x2xi32, #tpu.memory_space<vmem>>, vector<128x1xi32>
    %eq3A_7 = vector.broadcast %get3A_6 : vector<128x1xi32> to vector<128x4096xi32>
    %eq3A_8 = arith.cmpi eq, %iota3A, %eq3A_7 : vector<128x4096xi32>
    %convert_element_type3A_9 = arith.extui %eq3A_8 : vector<128x4096xi1> to vector<128x4096xi32>
    %convert_element_type3A_10 = arith.sitofp %convert_element_type3A_9 : vector<128x4096xi32> to vector<128x4096xf32>
    %get3A_11 = arith.constant 0 : index
    %get3A_12 = arith.constant 1 : index
    %get3A_13 = vector.load %arg1[%get3A_11, %get3A_12] : memref<128x2xi32, #tpu.memory_space<vmem>>, vector<128x1xi32>
    %eq3A_14 = vector.broadcast %get3A_13 : vector<128x1xi32> to vector<128x4096xi32>
    %eq3A_15 = arith.cmpi eq, %iota3A, %eq3A_14 : vector<128x4096xi32>
    %convert_element_type3A_16 = arith.extui %eq3A_15 : vector<128x4096xi1> to vector<128x4096xi32>
    %convert_element_type3A_17 = arith.sitofp %convert_element_type3A_16 : vector<128x4096xi32> to vector<128x4096xf32>
    %get3A_18 = arith.constant 0 : index
    %get3A_19 = arith.constant 0 : index
    %get3A_20 = vector.load %arg3[%get3A_18, %get3A_19] : memref<1x4096xf32, #tpu.memory_space<vmem>>, vector<1x4096xf32>
    %add3A_21 = arith.addf %convert_element_type3A_10, %convert_element_type3A_17 : vector<128x4096xf32>
    %convert_element_type3A_22 = arith.sitofp %add3A_4 : vector<128x1xi32> to vector<128x1xf32>
    %mul3A_23 = vector.broadcast %convert_element_type3A_22 : vector<128x1xf32> to vector<128x4096xf32>
    %mul3A_24 = arith.mulf %add3A_21, %mul3A_23 : vector<128x4096xf32>
    %reduce_sum3A = arith.constant dense<0.000000e+00> : vector<4096xf32>
    %reduce_sum3A_25 = vector.multi_reduction <add>, %mul3A_24, %reduce_sum3A [0] : vector<128x4096xf32> to vector<4096xf32>
    %broadcast_in_dim3A = vector.shape_cast %reduce_sum3A_25 : vector<4096xf32> to vector<1x4096xf32>
    %add3A_26 = arith.addf %get3A_20, %broadcast_in_dim3A : vector<1x4096xf32>
    %swap3A = arith.constant 0 : index
    %swap3A_27 = arith.constant 0 : index
    %swap3A_28 = vector.load %arg3[%swap3A, %swap3A_27] : memref<1x4096xf32, #tpu.memory_space<vmem>>, vector<1x4096xf32>
    tpu.vector_store %arg3[%swap3A, %swap3A_27], %add3A_26 {strides = array<i32>} : memref<1x4096xf32, #tpu.memory_space<vmem>>, vector<1x4096xf32>,
    %eq3A_29 = arith.constant 15 : i32
    %eq3A_30 = arith.cmpi eq, %arg0, %eq3A_29 : i32
    %convert_element_type3A_31 = arith.extui %eq3A_30 : i1 to i32
    %cond3A_32 = arith.constant 0 : i32
    %cond3A_33 = arith.cmpi ne, %convert_element_type3A_31, %cond3A_32 : i32
    scf.if %cond3A_33 {
      %get3A_34 = arith.constant 0 : index
      %get3A_35 = arith.constant 0 : index
      %get3A_36 = vector.load %arg3[%get3A_34, %get3A_35] : memref<1x4096xf32, #tpu.memory_space<vmem>>, vector<1x4096xf32>
      %convert_element_type3A_37 = arith.fptosi %get3A_36 : vector<1x4096xf32> to vector<1x4096xi32>
      %swap3A_38 = arith.constant 0 : index
      %swap3A_39 = arith.constant 0 : index
      %swap3A_40 = vector.load %arg2[%swap3A_38, %swap3A_39] : memref<1x4096xi32, #tpu.memory_space<vmem>>, vector<1x4096xi32>
      tpu.vector_store %arg2[%swap3A_38, %swap3A_39], %convert_element_type3A_37 {strides = array<i32>} : memref<1x4096xi32, #tpu.memory_space<vmem>>, vector<1x4096xi32>,
    } else {
    }
    return
  }
  func.func @transform_0(%arg0: i32) -> (i32, i32) {
    %c0_i32 = arith.constant 0 : i32
    %c0_i32_0 = arith.constant 0 : i32
    return %arg0, %c0_i32 : i32, i32
  }
  func.func @transform_1(%arg0: i32) -> (i32, i32) {
    %c0_i32 = arith.constant 0 : i32
    %c0_i32_0 = arith.constant 0 : i32
    %c0_i32_1 = arith.constant 0 : i32
    return %c0_i32, %c0_i32_0 : i32, i32
  }
}

module attributes {stable_mosaic.version = 14 : i64} {
  func.func @_expert_kernel(%arg0: i32, %arg1: memref<47xi32, #tpu.memory_space<smem>>, %arg2: memref<47xi32, #tpu.memory_space<smem>>, %arg3: memref<47xi32, #tpu.memory_space<smem>>, %arg4: memref<47xi32, #tpu.memory_space<smem>>, %arg5: memref<47xi32, #tpu.memory_space<smem>>, %arg6: memref<128x1024xf32, #tpu.memory_space<vmem>>, %arg7: memref<1x1024x512xf32, #tpu.memory_space<vmem>>, %arg8: memref<1x1x512xf32, #tpu.memory_space<vmem>>, %arg9: memref<1x512x1024xf32, #tpu.memory_space<vmem>>, %arg10: memref<1x1x1024xf32, #tpu.memory_space<vmem>>, %arg11: memref<128x1024xf32, #tpu.memory_space<vmem>>) attributes {dimension_semantics = [#tpu.dimension_semantics<arbitrary>], iteration_bounds = array<i64: 47>, scalar_prefetch = 5 : i64, scratch_operands = 0 : i64, tpu.core_type = #tpu.core_type<tc>, window_params = [{transform_indices = @transform_0, window_bounds = array<i64: 128, 1024>}, {transform_indices = @transform_1, window_bounds = array<i64: 1, 1024, 512>}, {transform_indices = @transform_2, window_bounds = array<i64: 1, 1, 512>}, {transform_indices = @transform_3, window_bounds = array<i64: 1, 512, 1024>}, {transform_indices = @transform_4, window_bounds = array<i64: 1, 1, 1024>}, {transform_indices = @transform_5, window_bounds = array<i64: 128, 1024>}]} {
    %get3A = arith.index_cast %arg0 : i32 to index
    %get3A_0 = memref.load %arg1[%get3A] : memref<47xi32, #tpu.memory_space<smem>>
    %mul3A = arith.constant 128 : i32
    %mul3A_1 = arith.muli %get3A_0, %mul3A : i32
    %iota3A = tpu.iota {dimensions = array<i32: 0>} : vector<128x1xi32>
    %add3A = vector.broadcast %mul3A_1 : i32 to vector<128x1xi32>
    %add3A_2 = arith.addi %add3A, %iota3A : vector<128x1xi32>
    %get3A_3 = arith.index_cast %arg0 : i32 to index
    %get3A_4 = memref.load %arg3[%get3A_3] : memref<47xi32, #tpu.memory_space<smem>>
    %ge3A = vector.broadcast %get3A_4 : i32 to vector<128x1xi32>
    %ge3A_5 = arith.cmpi sge, %add3A_2, %ge3A : vector<128x1xi32>
    %get3A_6 = arith.index_cast %arg0 : i32 to index
    %get3A_7 = memref.load %arg4[%get3A_6] : memref<47xi32, #tpu.memory_space<smem>>
    %lt3A = vector.broadcast %get3A_7 : i32 to vector<128x1xi32>
    %lt3A_8 = arith.cmpi slt, %add3A_2, %lt3A : vector<128x1xi32>
    %and3A = arith.andi %ge3A_5, %lt3A_8 : vector<128x1xi1>
    %get3A_9 = arith.constant 0 : index
    %get3A_10 = arith.constant 0 : index
    %get3A_11 = vector.load %arg6[%get3A_9, %get3A_10] : memref<128x1024xf32, #tpu.memory_space<vmem>>, vector<128x1024xf32>
    %get3A_12 = arith.constant 0 : index
    %get3A_13 = arith.constant 0 : index
    %get3A_14 = arith.constant 0 : index
    %get3A_15 = vector.load %arg7[%get3A_12, %get3A_13, %get3A_14] : memref<1x1024x512xf32, #tpu.memory_space<vmem>>, vector<1x1024x512xf32>
    %get3A_16 = vector.shape_cast %get3A_15 : vector<1x1024x512xf32> to vector<1024x512xf32>
    %dot_general3A = arith.constant dense<0.000000e+00> : vector<128x512xf32>
    %dot_general3A_17 = tpu.matmul %get3A_11, %get3A_16, %dot_general3A {dimension_numbers = #tpu.dot_dimension_numbers<[1], [0], [0], [1], [0, 0, 1, 1], [], []>, transpose_lhs_hint = false} : vector<128x1024xf32>, vector<1024x512xf32>, vector<128x512xf32> -> vector<128x512xf32>
    %get3A_18 = arith.constant 0 : index
    %get3A_19 = arith.constant 0 : index
    %get3A_20 = arith.constant 0 : index
    %get3A_21 = vector.load %arg8[%get3A_18, %get3A_19, %get3A_20] : memref<1x1x512xf32, #tpu.memory_space<vmem>>, vector<1x1x512xf32>
    %get3A_22 = vector.shape_cast %get3A_21 : vector<1x1x512xf32> to vector<1x512xf32>
    %add3A_23 = vector.broadcast %get3A_22 : vector<1x512xf32> to vector<128x512xf32>
    %add3A_24 = arith.addf %dot_general3A_17, %add3A_23 : vector<128x512xf32>
    %max3A = arith.constant 0.000000e+00 : f32
    %max3A_25 = vector.broadcast %max3A : f32 to vector<128x512xf32>
    %max3A_26 = arith.maximumf %add3A_24, %max3A_25 : vector<128x512xf32>
    %get3A_27 = arith.constant 0 : index
    %get3A_28 = arith.constant 0 : index
    %get3A_29 = arith.constant 0 : index
    %get3A_30 = vector.load %arg9[%get3A_27, %get3A_28, %get3A_29] : memref<1x512x1024xf32, #tpu.memory_space<vmem>>, vector<1x512x1024xf32>
    %get3A_31 = vector.shape_cast %get3A_30 : vector<1x512x1024xf32> to vector<512x1024xf32>
    %dot_general3A_32 = arith.constant dense<0.000000e+00> : vector<128x1024xf32>
    %dot_general3A_33 = tpu.matmul %max3A_26, %get3A_31, %dot_general3A_32 {dimension_numbers = #tpu.dot_dimension_numbers<[1], [0], [0], [1], [0, 0, 1, 1], [], []>, transpose_lhs_hint = false} : vector<128x512xf32>, vector<512x1024xf32>, vector<128x1024xf32> -> vector<128x1024xf32>
    %get3A_34 = arith.constant 0 : index
    %get3A_35 = arith.constant 0 : index
    %get3A_36 = arith.constant 0 : index
    %get3A_37 = vector.load %arg10[%get3A_34, %get3A_35, %get3A_36] : memref<1x1x1024xf32, #tpu.memory_space<vmem>>, vector<1x1x1024xf32>
    %get3A_38 = vector.shape_cast %get3A_37 : vector<1x1x1024xf32> to vector<1x1024xf32>
    %add3A_39 = vector.broadcast %get3A_38 : vector<1x1024xf32> to vector<128x1024xf32>
    %add3A_40 = arith.addf %dot_general3A_33, %add3A_39 : vector<128x1024xf32>
    %jit3A = arith.constant 0.000000e+00 : f32
    %broadcast_in_dim3A = vector.shape_cast %and3A : vector<128x1xi1> to vector<128x1xi1>
    %broadcast_in_dim3A_41 = vector.broadcast %broadcast_in_dim3A : vector<128x1xi1> to vector<128x1024xi1>
    %broadcast_in_dim3A_42 = vector.broadcast %jit3A : f32 to vector<128x1024xf32>
    %select_n3A = arith.select %broadcast_in_dim3A_41, %add3A_40, %broadcast_in_dim3A_42 : vector<128x1024xi1>, vector<128x1024xf32>
    %get3A_43 = arith.index_cast %arg0 : i32 to index
    %get3A_44 = memref.load %arg5[%get3A_43] : memref<47xi32, #tpu.memory_space<smem>>
    %eq3A = arith.constant 1 : i32
    %eq3A_45 = arith.cmpi eq, %get3A_44, %eq3A : i32
    %convert_element_type3A = arith.extui %eq3A_45 : i1 to i32
    %cond3A = arith.constant 0 : i32
    %cond3A_46 = arith.cmpi ne, %convert_element_type3A, %cond3A : i32
    scf.if %cond3A_46 {
      %swap3A = arith.constant 0 : index
      %swap3A_54 = arith.constant 0 : index
      %swap3A_55 = vector.load %arg11[%swap3A, %swap3A_54] : memref<128x1024xf32, #tpu.memory_space<vmem>>, vector<128x1024xf32>
      tpu.vector_store %arg11[%swap3A, %swap3A_54], %select_n3A {strides = array<i32>} : memref<128x1024xf32, #tpu.memory_space<vmem>>, vector<128x1024xf32>,
    } else {
    }
    %get3A_47 = arith.index_cast %arg0 : i32 to index
    %get3A_48 = memref.load %arg5[%get3A_47] : memref<47xi32, #tpu.memory_space<smem>>
    %eq3A_49 = arith.constant 0 : i32
    %eq3A_50 = arith.cmpi eq, %get3A_48, %eq3A_49 : i32
    %convert_element_type3A_51 = arith.extui %eq3A_50 : i1 to i32
    %cond3A_52 = arith.constant 0 : i32
    %cond3A_53 = arith.cmpi ne, %convert_element_type3A_51, %cond3A_52 : i32
    scf.if %cond3A_53 {
      %get3A_54 = arith.constant 0 : index
      %get3A_55 = arith.constant 0 : index
      %get3A_56 = vector.load %arg11[%get3A_54, %get3A_55] : memref<128x1024xf32, #tpu.memory_space<vmem>>, vector<128x1024xf32>
      %add3A_57 = arith.addf %get3A_56, %select_n3A : vector<128x1024xf32>
      %swap3A = arith.constant 0 : index
      %swap3A_58 = arith.constant 0 : index
      %swap3A_59 = vector.load %arg11[%swap3A, %swap3A_58] : memref<128x1024xf32, #tpu.memory_space<vmem>>, vector<128x1024xf32>
      tpu.vector_store %arg11[%swap3A, %swap3A_58], %add3A_57 {strides = array<i32>} : memref<128x1024xf32, #tpu.memory_space<vmem>>, vector<128x1024xf32>,
    } else {
    }
    return
  }
  func.func @transform_0(%arg0: i32, %arg1: memref<47xi32, #tpu.memory_space<smem>>, %arg2: memref<47xi32, #tpu.memory_space<smem>>, %arg3: memref<47xi32, #tpu.memory_space<smem>>, %arg4: memref<47xi32, #tpu.memory_space<smem>>, %arg5: memref<47xi32, #tpu.memory_space<smem>>) -> (i32, i32) {
    %get3A = arith.index_cast %arg0 : i32 to index
    %get3A_0 = memref.load %arg1[%get3A] : memref<47xi32, #tpu.memory_space<smem>>
    %c0_i32 = arith.constant 0 : i32
    %c0_i32_1 = arith.constant 0 : i32
    return %get3A_0, %c0_i32 : i32, i32
  }
  func.func @transform_1(%arg0: i32, %arg1: memref<47xi32, #tpu.memory_space<smem>>, %arg2: memref<47xi32, #tpu.memory_space<smem>>, %arg3: memref<47xi32, #tpu.memory_space<smem>>, %arg4: memref<47xi32, #tpu.memory_space<smem>>, %arg5: memref<47xi32, #tpu.memory_space<smem>>) -> (i32, i32, i32) {
    %get3A = arith.index_cast %arg0 : i32 to index
    %get3A_0 = memref.load %arg2[%get3A] : memref<47xi32, #tpu.memory_space<smem>>
    %c0_i32 = arith.constant 0 : i32
    %c0_i32_1 = arith.constant 0 : i32
    %c0_i32_2 = arith.constant 0 : i32
    return %get3A_0, %c0_i32, %c0_i32_1 : i32, i32, i32
  }
  func.func @transform_2(%arg0: i32, %arg1: memref<47xi32, #tpu.memory_space<smem>>, %arg2: memref<47xi32, #tpu.memory_space<smem>>, %arg3: memref<47xi32, #tpu.memory_space<smem>>, %arg4: memref<47xi32, #tpu.memory_space<smem>>, %arg5: memref<47xi32, #tpu.memory_space<smem>>) -> (i32, i32, i32) {
    %get3A = arith.index_cast %arg0 : i32 to index
    %get3A_0 = memref.load %arg2[%get3A] : memref<47xi32, #tpu.memory_space<smem>>
    %c0_i32 = arith.constant 0 : i32
    %c0_i32_1 = arith.constant 0 : i32
    %c0_i32_2 = arith.constant 0 : i32
    return %get3A_0, %c0_i32, %c0_i32_1 : i32, i32, i32
  }
  func.func @transform_3(%arg0: i32, %arg1: memref<47xi32, #tpu.memory_space<smem>>, %arg2: memref<47xi32, #tpu.memory_space<smem>>, %arg3: memref<47xi32, #tpu.memory_space<smem>>, %arg4: memref<47xi32, #tpu.memory_space<smem>>, %arg5: memref<47xi32, #tpu.memory_space<smem>>) -> (i32, i32, i32) {
    %get3A = arith.index_cast %arg0 : i32 to index
    %get3A_0 = memref.load %arg2[%get3A] : memref<47xi32, #tpu.memory_space<smem>>
    %c0_i32 = arith.constant 0 : i32
    %c0_i32_1 = arith.constant 0 : i32
    %c0_i32_2 = arith.constant 0 : i32
    return %get3A_0, %c0_i32, %c0_i32_1 : i32, i32, i32
  }
  func.func @transform_4(%arg0: i32, %arg1: memref<47xi32, #tpu.memory_space<smem>>, %arg2: memref<47xi32, #tpu.memory_space<smem>>, %arg3: memref<47xi32, #tpu.memory_space<smem>>, %arg4: memref<47xi32, #tpu.memory_space<smem>>, %arg5: memref<47xi32, #tpu.memory_space<smem>>) -> (i32, i32, i32) {
    %get3A = arith.index_cast %arg0 : i32 to index
    %get3A_0 = memref.load %arg2[%get3A] : memref<47xi32, #tpu.memory_space<smem>>
    %c0_i32 = arith.constant 0 : i32
    %c0_i32_1 = arith.constant 0 : i32
    %c0_i32_2 = arith.constant 0 : i32
    return %get3A_0, %c0_i32, %c0_i32_1 : i32, i32, i32
  }
  func.func @transform_5(%arg0: i32, %arg1: memref<47xi32, #tpu.memory_space<smem>>, %arg2: memref<47xi32, #tpu.memory_space<smem>>, %arg3: memref<47xi32, #tpu.memory_space<smem>>, %arg4: memref<47xi32, #tpu.memory_space<smem>>, %arg5: memref<47xi32, #tpu.memory_space<smem>>) -> (i32, i32) {
    %get3A = arith.index_cast %arg0 : i32 to index
    %get3A_0 = memref.load %arg1[%get3A] : memref<47xi32, #tpu.memory_space<smem>>
    %c0_i32 = arith.constant 0 : i32
    %c0_i32_1 = arith.constant 0 : i32
    return %get3A_0, %c0_i32 : i32, i32
  }
}

module attributes {stable_mosaic.version = 14 : i64} {
  func.func @_combine_kernel(%arg0: i32, %arg1: memref<128x1024xf32, #tpu.memory_space<vmem>>, %arg2: memref<128x1024xf32, #tpu.memory_space<vmem>>, %arg3: memref<128x2xf32, #tpu.memory_space<vmem>>, %arg4: memref<1024x12xf32, #tpu.memory_space<vmem>>, %arg5: memref<1x12xf32, #tpu.memory_space<vmem>>, %arg6: memref<128x12xf32, #tpu.memory_space<vmem>>) attributes {dimension_semantics = [#tpu.dimension_semantics<arbitrary>], iteration_bounds = array<i64: 16>, scalar_prefetch = 0 : i64, scratch_operands = 0 : i64, tpu.core_type = #tpu.core_type<tc>, window_params = [{transform_indices = @transform_0, window_bounds = array<i64: 128, 1024>}, {transform_indices = @transform_1, window_bounds = array<i64: 128, 1024>}, {transform_indices = @transform_2, window_bounds = array<i64: 128, 2>}, {pipeline_mode = #tpu.pipeline_mode<synchronous>, transform_indices = @transform_3, window_bounds = array<i64: 1024, 12>}, {pipeline_mode = #tpu.pipeline_mode<synchronous>, transform_indices = @transform_4, window_bounds = array<i64: 1, 12>}, {transform_indices = @transform_5, window_bounds = array<i64: 128, 12>}]} {
    %get3A = arith.constant 0 : index
    %get3A_0 = arith.constant 0 : index
    %get3A_1 = vector.load %arg3[%get3A, %get3A_0] : memref<128x2xf32, #tpu.memory_space<vmem>>, vector<128x1xf32>
    %get3A_2 = arith.constant 0 : index
    %get3A_3 = arith.constant 0 : index
    %get3A_4 = vector.load %arg1[%get3A_2, %get3A_3] : memref<128x1024xf32, #tpu.memory_space<vmem>>, vector<128x1024xf32>
    %mul3A = vector.broadcast %get3A_1 : vector<128x1xf32> to vector<128x1024xf32>
    %mul3A_5 = arith.mulf %mul3A, %get3A_4 : vector<128x1024xf32>
    %get3A_6 = arith.constant 0 : index
    %get3A_7 = arith.constant 1 : index
    %get3A_8 = vector.load %arg3[%get3A_6, %get3A_7] : memref<128x2xf32, #tpu.memory_space<vmem>>, vector<128x1xf32>
    %get3A_9 = arith.constant 0 : index
    %get3A_10 = arith.constant 0 : index
    %get3A_11 = vector.load %arg2[%get3A_9, %get3A_10] : memref<128x1024xf32, #tpu.memory_space<vmem>>, vector<128x1024xf32>
    %mul3A_12 = vector.broadcast %get3A_8 : vector<128x1xf32> to vector<128x1024xf32>
    %mul3A_13 = arith.mulf %mul3A_12, %get3A_11 : vector<128x1024xf32>
    %add3A = arith.addf %mul3A_5, %mul3A_13 : vector<128x1024xf32>
    %max3A = arith.constant 0.000000e+00 : f32
    %max3A_14 = vector.broadcast %max3A : f32 to vector<128x1024xf32>
    %max3A_15 = arith.maximumf %add3A, %max3A_14 : vector<128x1024xf32>
    %get3A_16 = arith.constant 0 : index
    %get3A_17 = arith.constant 0 : index
    %get3A_18 = vector.load %arg4[%get3A_16, %get3A_17] : memref<1024x12xf32, #tpu.memory_space<vmem>>, vector<1024x12xf32>
    %dot_general3A = arith.constant dense<0.000000e+00> : vector<128x12xf32>
    %dot_general3A_19 = tpu.matmul %max3A_15, %get3A_18, %dot_general3A {dimension_numbers = #tpu.dot_dimension_numbers<[1], [0], [0], [1], [0, 0, 1, 1], [], []>, transpose_lhs_hint = false} : vector<128x1024xf32>, vector<1024x12xf32>, vector<128x12xf32> -> vector<128x12xf32>
    %get3A_20 = arith.constant 0 : index
    %get3A_21 = arith.constant 0 : index
    %get3A_22 = vector.load %arg5[%get3A_20, %get3A_21] : memref<1x12xf32, #tpu.memory_space<vmem>>, vector<1x12xf32>
    %add3A_23 = vector.broadcast %get3A_22 : vector<1x12xf32> to vector<128x12xf32>
    %add3A_24 = arith.addf %dot_general3A_19, %add3A_23 : vector<128x12xf32>
    %tanh3A = math.tanh %add3A_24 : vector<128x12xf32>
    %swap3A = arith.constant 0 : index
    %swap3A_25 = arith.constant 0 : index
    %swap3A_26 = vector.load %arg6[%swap3A, %swap3A_25] : memref<128x12xf32, #tpu.memory_space<vmem>>, vector<128x12xf32>
    tpu.vector_store %arg6[%swap3A, %swap3A_25], %tanh3A {strides = array<i32>} : memref<128x12xf32, #tpu.memory_space<vmem>>, vector<128x12xf32>,
    return
  }
  func.func @transform_0(%arg0: i32) -> (i32, i32) {
    %c0_i32 = arith.constant 0 : i32
    %c0_i32_0 = arith.constant 0 : i32
    return %arg0, %c0_i32 : i32, i32
  }
  func.func @transform_1(%arg0: i32) -> (i32, i32) {
    %add3A = arith.constant 16 : i32
    %add3A_0 = arith.addi %add3A, %arg0 : i32
    %c0_i32 = arith.constant 0 : i32
    %c0_i32_1 = arith.constant 0 : i32
    return %add3A_0, %c0_i32 : i32, i32
  }
  func.func @transform_2(%arg0: i32) -> (i32, i32) {
    %c0_i32 = arith.constant 0 : i32
    %c0_i32_0 = arith.constant 0 : i32
    return %arg0, %c0_i32 : i32, i32
  }
  func.func @transform_3(%arg0: i32) -> (i32, i32) {
    %c0_i32 = arith.constant 0 : i32
    %c0_i32_0 = arith.constant 0 : i32
    %c0_i32_1 = arith.constant 0 : i32
    return %c0_i32, %c0_i32_0 : i32, i32
  }
  func.func @transform_4(%arg0: i32) -> (i32, i32) {
    %c0_i32 = arith.constant 0 : i32
    %c0_i32_0 = arith.constant 0 : i32
    %c0_i32_1 = arith.constant 0 : i32
    return %c0_i32, %c0_i32_0 : i32, i32
  }
  func.func @transform_5(%arg0: i32) -> (i32, i32) {
    %c0_i32 = arith.constant 0 : i32
    %c0_i32_0 = arith.constant 0 : i32
    return %arg0, %c0_i32 : i32, i32
  }
}

</mosaic_0001>

<sc_bundles>
// kernel: gather_offload_async_start
scs
__scs_entry_jumppad:
0x0: {  	(pc) =	sbr.rel $0x88, $3  }
0x1: {  	(tag) =	ssettag $0x0;
	lr =	simm.s32 $0x1  }
0x2: {  	[smem:$0x3F8F] =	sst lr;
	_ =	strace $0xD0000000  }
0x3: {  	_ = 	snop  }
0x4: {  	_ = 	snop  }
0x5: {  	_ = 	snop  }
0x6: {  	_ = 	snop  }
0x7: {  	_ = 	snop  }
__scs_overlays_trampoline_lowered:
0x8: {  	[smem:$0x3F9E] =	sst s0  }
0x9: {  	[smem:$0x3F9F] =	sst s1  }
0xa: {  	[smem:$0x3FA0] =	sst s2  }
0xb: {  	[smem:$0x3FA1] =	sst s3  }
0xc: {  	[smem:$0x3FA2] =	sst s4  }
0xd: {  	[smem:$0x3FA3] =	sst s5  }
0xe: {  	[smem:$0x3FA4] =	sst s6  }
0xf: {  	[smem:$0x3FA5] =	sst s7  }
0x10: {  	[smem:$0x3FA6] =	sst s8  }
0x11: {  	[smem:$0x3FA7] =	sst s9;
	s0 =	simm.s32 @!p0 $0x0  }
0x12: {  	s1 =	sld [smem:$0x3F8D];
	s0 =	simm.s32 @p0 $0x1  }
0x13: {  	[smem:$0x3FA8] =	sst s0;
	s0 =	simm.s32 @!p1 $0x0  }
0x14: {  	s2 =	sld [smem:$0x3F8C];
	s0 =	simm.s32 @p1 $0x1  }
0x15: {  	[smem:$0x3FA9] =	sst s0;
	s0 =	simm.s32 @!p2 $0x0  }
0x16: {  	s3 =	sld [smem:$0x3FDB];
	s0 =	simm.s32 @p2 $0x1  }
0x17: {  	s4 =	simm.s32 $0x1BF5;
	[smem:$0x3FAB] =	sst s0  }
0x18: {  	s0 =	sld [smem:$0x3F8E];
	_ =	swait.ge [sflag:s4], $0x0  }
0x19: {  	s7 =	sld [smem:$0x3F8F]  }
0x1a: {  	s8 =	sadd.s32 $0xFFFFE003, lr  }
0x1b: {  	s9 =	sadd.s32 $0xFFFFFEF7, lr;
	s5 =	simm.s32 $0xFFFFFFFF;
	p2 =	slt.u32 s8, $0xFFFFF086  }
0x1c: {  	p1 =	slt.u32 s9, $0xF7A;
	s5 =	simm.s32 @!p2 $0x0  }
0x1d: {  	s5 =	simm.s32 @p1 $0x1;
	p0 =	seq.s32 s7, s2  }
0x1e: {  	s7 =	smul.u32 @!p0 $0xF7A, s2;
	p2 =	seq.s32 @!p0 s5, $0x0  }
0x1f: {  	s9 =	smul.u32 $0xF7A, s1;
	s8 =	simm.s32 @!p0 $0x1BF5;
	p2 =	por !p2, p0  }
0x20: {  	[sflag:s8] =	ssyncset.s32 @!p0 $0xFFFFF086;
	s6 =	sadd.s32 @!p0 s3, s7;
	s7 =	simm.s32 @!p0 $0x108  }
0x21: {  	s3 =	sadd.s32 s3, s9;
	s6 =	sadd.s32 @!p0 $0x88, s6;
	s7 =	simm.s32 @p2 $0x1082  }
0x22: {  	[simem:s7], [sflag:s8] =	dma.local @!p0 [hbm:s6], $0xF7A  }
0x23: {  	s9 =	sor.u32 $0xD0000000, s2;
	s6 =	simm.s32 $0x108;
	_ =	swait.ge @!p0 [sflag:s8], $0x0  }
0x24: {  	s3 =	sadd.s32 $0x88, s3;
	s6 =	simm.s32 @!p1 $0x1082;
	[sflag:s4] =	ssyncset.s32 $0xFFFFF086  }
0x25: {  	[simem:s6], [sflag:s4] =	dma.local [hbm:s3], $0xF7A  }
0x26: {  	[smem:$0x3F8F] =	sst s1;
	(tag) =	ssettag s2;
	_ =	strace s9  }
0x27: {  	s1 =	sld [smem:$0x3F9F]  }
0x28: {  	s2 =	sld [smem:$0x3FA0]  }
0x29: {  	s4 =	sld [smem:$0x3FA2]  }
0x2a: {  	p0 =	seq.s32 s5, $0x0;
	s5 =	sld [smem:$0x3FA3]  }
0x2b: {  	s6 =	sld [smem:$0x3FA4]  }
0x2c: {  	s7 =	sld [smem:$0x3FA5]  }
0x2d: {  	s3 =	simm.s32 $0x108;
	s8 =	sld [smem:$0x3FA6]  }
0x2e: {  	s3 =	simm.s32 @!p0 $0x1082;
	s9 =	sld [smem:$0x3FA7]  }
0x2f: {  	lr =	sadd.s32 s0, s3;
	s0 =	sld [smem:$0x3F9E]  }
0x30: {  	s3 =	sld [smem:$0x3FA1]  }
0x31: {  	[smem:$0x3FAA] =	sst s10  }
0x32: {  	s10 =	sld [smem:$0x3FA8];
	_ =	sdelay $0x3  }
0x33: {  	p0 =	seq.s32 s10, $0x1;
	s10 =	sld [smem:$0x3FAA];
	_ =	sdelay $0x3  }
0x34: {  	[smem:$0x3FAA] =	sst s10  }
0x35: {  	s10 =	sld [smem:$0x3FA9];
	_ =	sdelay $0x3  }
0x36: {  	p1 =	seq.s32 s10, $0x1;
	s10 =	sld [smem:$0x3FAA];
	_ =	sdelay $0x3  }
0x37: {  	[smem:$0x3FAA] =	sst s10  }
0x38: {  	s10 =	sld [smem:$0x3FAB]  }
0x39: {  	_ = 	snop;
	(pc) =	sbr.ind lr, $3  }
0x3a: {  	_ = 	snop  }
0x3b: {  	_ = 	snop  }
0x3c: {  	p2 =	seq.s32 s10, $0x1;
	s10 =	sld [smem:$0x3FAA]  }
0x3d: {  	_ =	shalt  }
0x3e: {  	_ =	shalt  }
0x3f: {  	_ =	shalt  }
0x40: {  	_ =	shalt  }
0x41: {  	_ =	shalt  }
0x42: {  	_ =	shalt  }
0x43: {  	_ =	shalt  }
0x44: {  	_ =	shalt  }
0x45: {  	_ =	shalt  }
0x46: {  	_ =	shalt  }
0x47: {  	_ =	shalt  }
0x48: {  	_ =	shalt  }
0x49: {  	_ =	shalt  }
0x4a: {  	_ =	shalt  }
0x4b: {  	_ =	shalt  }
0x4c: {  	_ =	shalt  }
0x4d: {  	_ =	shalt  }
0x4e: {  	_ =	shalt  }
0x4f: {  	_ =	shalt  }
0x50: {  	_ =	shalt  }
0x51: {  	_ =	shalt  }
0x52: {  	_ =	shalt  }
0x53: {  	_ =	shalt  }
0x54: {  	_ =	shalt  }
0x55: {  	_ =	shalt  }
0x56: {  	_ =	shalt  }
0x57: {  	_ =	shalt  }
0x58: {  	_ =	shalt  }
0x59: {  	_ =	shalt  }
0x5a: {  	_ =	shalt  }
0x5b: {  	_ =	shalt  }
0x5c: {  	_ =	shalt  }
0x5d: {  	_ =	shalt  }
0x5e: {  	_ =	shalt  }
0x5f: {  	_ =	shalt  }
0x60: {  	_ =	shalt  }
0x61: {  	_ =	shalt  }
0x62: {  	_ =	shalt  }
0x63: {  	_ =	shalt  }
0x64: {  	_ =	shalt  }
0x65: {  	_ =	shalt  }
0x66: {  	_ =	shalt  }
0x67: {  	_ =	shalt  }
0x68: {  	_ =	shalt  }
0x69: {  	_ =	shalt  }
0x6a: {  	_ =	shalt  }
0x6b: {  	_ =	shalt  }
0x6c: {  	_ =	shalt  }
0x6d: {  	_ =	shalt  }
0x6e: {  	_ =	shalt  }
0x6f: {  	_ =	shalt  }
0x70: {  	_ =	shalt  }
0x71: {  	_ =	shalt  }
0x72: {  	_ =	shalt  }
0x73: {  	_ =	shalt  }
0x74: {  	_ =	shalt  }
0x75: {  	_ =	shalt  }
0x76: {  	_ =	shalt  }
0x77: {  	_ =	shalt  }
0x78: {  	_ =	shalt  }
0x79: {  	_ =	shalt  }
0x7a: {  	_ =	shalt  }
0x7b: {  	_ =	shalt  }
0x7c: {  	_ =	shalt  }
0x7d: {  	_ =	shalt  }
0x7e: {  	_ =	shalt  }
0x7f: {  	_ =	shalt  }
0x80: {  	_ =	shalt  }
0x81: {  	_ =	shalt  }
0x82: {  	_ =	shalt  }
0x83: {  	_ =	shalt  }
0x84: {  	_ =	shalt  }
0x85: {  	_ =	shalt  }
0x86: {  	_ =	shalt  }
0x87: {  	_ =	shalt  }
.Lfunc_end0:
.L_simem_size_0:
called_computation_lowered:
.L_overlay_start_0:
0x88: {  	s2 =	sld [smem:$0x3FD9]  }
0x89: {  	s3 =	sld [smem:$0x3FFE];
	_ =	sdelay $0x1  }
0x8a: {  	s1 =	srdreg.scid  }
0x8b: {  	s0 =	sand.u32 $0x1, s1  }
0x8c: {  	s14 =	sshll.u32 s0, $0xA;
	s2 =	sadd.s32 s3, s2  }
0x8d: {  	s2 =	sadd.s32 s2, s14  }
0x8e: {  	[smem:$0x3FB6] =	sst s2  }
0x8f: {  	_ = 	snop  }
0x90: {  	s2 =	sld [smem:$0x3FD0];
	_ =	sdelay $0x2  }
0x91: {  	s15 =	simm.s32 $0xA;
	s4 =	simm.s32 $0x10  }
0x92: {  	[smem:s4], [sflag:s15] =	dma.local [hbm:s2], $0x1  }
0x93: {  	_ =	swait.eq [sflag:s15], $0x1  }
0x94: {  	[sflag:s15] =	ssyncset.done $0x0  }
0x95: {  	[sflag:s15] =	ssyncadd.s32 $0xFFFFFFFF  }
0x96: {  	s16 =	sld [smem:$0x11];
	(tm) =	ssettm $0x1  }
0x97: {  	s17 =	sld [smem:$0x3FFB];
	_ =	sdelay $0x3  }
0x98: {  	_ =	strace s17  }
0x99: {  	s3 =	sld [smem:$0x3FFC];
	_ =	sdelay $0x3  }
0x9a: {  	_ =	strace s3  }
0x9b: {  	s3 =	sld [smem:$0x3FFD];
	_ =	sdelay $0x3  }
0x9c: {  	_ =	strace s3  }
0x9d: {  	_ =	strace $0x8FFFFFFF  }
0x9e: {  	s18 =	sld [smem:$0x3FDB];
	_ =	sdelay $0x1  }
0x9f: {  	s19 =	simm.s32 $_scs_section_size  }
0xa0: {  	s5 =	simm.s32 $_size__tile_overlayer_lowered;
	s6 =	simm.s32 $_tile_overlayer_lowered  }
0xa1: {  	s22 =	simm.s32 $0x1BFF;
	s21 =	sshll.u32 s6, $0x1;
	s3 =	sadd.s32 s19, s18  }
0xa2: {  	s7 =	simm.s32 $0x0;
	s20 =	sshll.u32 s5, $0x1;
	s5 =	sadd.s32 s21, s3  }
0xa3: {  	[timem:s7], [sflag:s22] =	dma.local [hbm:s5], s20  }
0xa4: {  	_ =	swait.ge [sflag:s22], s20  }
0xa5: {  	s4 =	ssub.s32 $0x0, s20;
	[sflag:s22] =	ssyncset.done $0x0  }
0xa6: {  	[sflag:s22] =	ssyncadd.s32 s4;
	_ =	sdelay $0x1  }
0xa7: {  	s23 =	simm.s32 $0x1B8B  }
0xa8: {  	_ =	swait.ge [sflag:s23], $0x1  }
0xa9: {  	[sflag:s23] =	ssyncset.done $0x0  }
0xaa: {  	s25 =	simm.s32 $0x1B8E;
	s24 =	sld [smem:$0x3FFE];
	[sflag:s23] =	ssyncadd.s32 $0xFFFFFFFF  }
0xab: {  	s26 =	simm.s32 $execute0_lowered;
	[smem:$0x3FD2] =	sst s25  }
0xac: {  	s5 =	sshll.u32 s26, $0x1;
	_ =	strace $0x80000046;
	[dreg:$0x1] =	wrdreg $0xFFFFFFFF  }
0xad: {  	s28 =	simm.s32 $_size_execute0_lowered;
	s3 =	sadd.s32 s3, s5;
	[dreg:$0x0] =	wrdreg $0x0  }
0xae: {  	s5 =	sshll.u32 s28, $0x1;
	[dreg:$0x2] =	wrdreg s3  }
0xaf: {  	[dreg:$0x3] =	wrdreg s5  }
0xb0: {  	[dreg:$0x4] =	wrdreg $0xC0  }
0xb1: {  	_ =	task [dreg:s7], $0x5FFFF  }
0xb2: {  	[dreg:$0x1] =	wrdreg $0xFFFFFFFF  }
0xb3: {  	[dreg:$0x0] =	wrdreg $0x60  }
0xb4: {  	[dreg:$0x2] =	wrdreg s24  }
0xb5: {  	[dreg:$0x3] =	wrdreg s16  }
0xb6: {  	[dreg:$0x4] =	wrdreg $0x9  }
0xb7: {  	_ =	task.clear_ibuf [dreg:s7], $0x5FFFF;
	_ =	strace $0x90000046  }
0xb8: {  	s29 =	simm.s32 $0x9;
	_ =	strace $0x80000048  }
0xb9: {  	_ =	swait.ge [sflag:s29], $0x1  }
0xba: {  	[sflag:s29] =	ssyncadd.s32 $0xFFFFFFFF  }
0xbb: {  	_ =	strace $0x90000048  }
0xbc: {  	_ =	sfence  }
0xbd: {  	s30 =	sld [smem:$0x0];
	_ =	sdelay $0x2  }
0xbe: {  	s31 =	sshll.u32 s1, $0xD;
	s1 =	sshrl.u32 s1, $0x2  }
0xbf: {  	s3 =	sand.u32 $0x4000, s31;
	s1 =	sadd.s32 s1, s30  }
0xc0: {  	s0 =	sor.u32 s3, s0;
	s1 =	sshll.u32 s1, $0x11  }
0xc1: {  	s0 =	sor.u32 s1, s0  }
0xc2: {  	s0 =	sadd.s32 $0x8F2B, s0  }
0xc3: {  	[sflag:s0] =	ssyncadd.remote.s32 $0x1  }
0xc4: {  	_ =	sfence.sel $0xFFFF  }
0xc5: {  	[dreg:$0x0] =	wrdreg $0xFFFFFFFF;
	(pc) =	sbr.abs _section_cstart, $3  }
0xc6: {  	[dreg:$0x1] =	wrdreg $0xFFFFFFFF  }
0xc7: {  	_ =	task.clear_ibuf [dreg:s7], $0x2FFFF;
	_ =	strace $0x9FFFFFFF  }
0xc8: {  	(tm) =	ssettm $0x7FFFFFFF  }
0xc9: {  	_ =	shalt  }
tec
execute0_lowered:
.L_overlay_start_1:
0x0: {  	(tag) =	ssettag $0x1  }
0x1: {  	s7 =	rddreg [dreg:$0x0]  }
0x2: {  	s2 =	rddreg [dreg:$0x1]  }
0x3: {  	s0 =	rddreg [dreg:$0x2]  }
0x4: {  	s1 =	srdreg.scid;
	_ =	strace $0x80000047;
	s4 =	simm.s32 $0x1  }
0x5: {  	s9 =	simm.s32 $0x3;
	s11 =	simm.s32 $0x0;
	s5 =	sshll.u32 s1, $0x4  }
.Ltmp0:
0x6: {  	s1 =	stileid.u32;
	s5 =	sand.u32 $0x10, s5;
	(pc) =	sbr.rel .LBB2_1-.Ltmp0, $4  }
0x7: {  	p0 =	por $0x0, $0x0;
	s3 =	sadd.s32 $0x9800, s7;
	s6 =	sor.u32 s1, s5  }
0x8: {  	[sflag:s4] =	ssyncpa.u1 $0x0;
	s5 =	simm.s32 $0x2;
	s6 =	sshll.u32 s6, $0x7  }
0x9: {  	s7 =	sadd.s32 $0x89800, s7;
	[sflag:s5] =	ssyncpa.u1 $0x0;
	s8 =	sadd.s32 $0x80, s6  }
0xa: {  	vm0 =	vmmov $0xff;
	vm1 =	vcmask $0x3F20;
	[sflag:s9] =	ssyncpa.u1 $0x0;
	s10 =	smov.u32 s6;
	s9 =	simm.s32 $0x0  }
.LBB2_9:
0xb: {  	p1 =	slt.u32 s9, $0x2;
	s11 =	sadd.s32 $0x20, s10  }
0xc: {  	s13 =	smov.u32 s6;
	s9 =	sadd.s32 $0x1, s9;
	p2 =	slt.s32 s11, s8  }
0xd: {  	s13 =	smov.u32 @p2 s11;
	p2 =	sne.s32 s9, $0x6  }
.Ltmp1:
0xe: {  	_ = 	snop;
	(pc) =	sbr.rel @!p2 .LBB2_10-.Ltmp1, $4  }
0xf: {  	s12 =	simm.s32 @!p1 $0x3  }
0x10: {  	_ =	swait.ge @!p1 [sflag:s12], $0x8000  }
0x11: {  	p0 =	por !p0, !p0;
	[sflag:s12] =	ssyncset.done @!p1 $0x0  }
0x12: {  	s11 =	smov.u32 s10;
	s10 =	smov.u32 s13;
	[sflag:s12] =	ssyncadd.s32 @!p1 $0xFFFF8000  }
.LBB2_1:
0x13: {  	p1 =	sgt.u32 s9, $0x3  }
0x14: {  	s12 =	sxor.u32 @!p1 $0xFFFFFFFF, s9  }
0x15: {  	s13 =	sshrl.u32 @!p1 s10, $0x3;
	s12 =	sshll.u32 @!p1 s12, $0x5  }
0x16: {  	s14 =	sand.u32 @!p1 $0x7, s10;
	s13 =	sadd.s32 @!p1 s2, s13;
	s12 =	sand.u32 @!p1 $0x20, s12  }
0x17: {  	[tilespmem:s12], [sflag:$0x2] =	stream.linear.gather @!p1 [hbm4b:s13+s14], $0x20, $0x38;
	[tilespmem:$0x10040] =	vst v63  }
0x18: {  	p1 =	seq.s32 s9, $0x0  }
0x19: {  	p2 =	seq.s32 @!p1 s9, $0x5  }
0x1a: {  	p1 =	por p1, p2  }
.Ltmp2:
0x1b: {  	_ = 	snop;
	(pc) =	sbr.rel @p1 .LBB2_9-.Ltmp2, $1  }
0x1c: {  	_ =	sdelay $0x3  }
0x1d: {  	s12 =	simm.s32 $0x1  }
0x1e: {  	_ =	swait.ge [sflag:s5], $0x20;
	s13 =	sand.u32 $0x1, s9;
	s12 =	simm.s32 @!p0 $0x0  }
0x1f: {  	s15 =	simm.s32 $0x0;
	p2 =	por $0x1, $0x1;
	s12 =	sshll.u32 s12, $0x11  }
0x20: {  	[sflag:s5] =	ssyncset.done $0x0;
	s13 =	sshll.u32 s13, $0x5;
	s14 =	sshrl.u32 s12, $0x2  }
0x21: {  	[sflag:s5] =	ssyncadd.s32 $0xFFFFFFE0;
	s12 =	sor.u32 $0x40, s14;
	s14 =	sadd.s32 $0x40, s14  }
.LBB2_3:
0x22: {  	s16 =	sshll.u32 s15, $0x4  }
0x23: {  	s16 =	sand.u32 $0x3FFFFFF0, s16  }
0x24: {  	s16 =	sadd.s32 s16, s13  }
0x25: {  	v0 =	vld.msk [tilespmem:s16+$0x0 ss:$0x1], $0xffff;
	_ =	sdelay $0x4  }
0x26: {  	vm2 =	vgt.s32 v0, $0x0  }
0x27: {  	v0 =	vnsel vm2, $0x0, v0  }
0x28: {  	v0 =	vmin.u32 v0, $0xFFF  }
0x29: {  	v1 =	vshll.u32 v0, $0x7;
	v0 =	vshll.u32 v0, $0x4  }
0x2a: {  	v1 =	vand.u32 $0x7FC00, v1;
	v0 =	vand.u32 $0x70, v0  }
0x2b: {  	v0 =	vor.u32 v0, v1  }
0x2c: {  	s31 =	sshll.u32 s15, $0x10  }
0x2d: {  	s15 =	sshra.s32 s31, $0x2  }
0x2e: {  	s15 =	sadd.s32 s15, s14  }
0x2f: {  	s17 =	sadd.s32 $0x0, s15  }
0x30: {  	[tilespmem:s17], [sflag:$0x1] =	stream.indirect_vreg.gather [hbm:s3], $0x80, v0, vm0, $0x38;
	[tilespmem:$0x10040] =	vst v63  }
0x31: {  	p1 =	por p2, p2;
	s16 =	simm.s32 $0x1000;
	v1 =	vadd.s32 $0x80, v0;
	s17 =	sadd.s32 $0x2000, s17  }
.LBB2_4:
0x32: {  	[tilespmem:s17], [sflag:$0x1] =	stream.indirect_vreg.gather [hbm:s3], $0x80, v0, vm1, $0x38;
	[tilespmem:$0x10040] =	vst v63  }
0x33: {  	v0 =	vmov v1;
	s17 =	smov.u32 s16;
	p2 =	sne.s32 s16, $0x7000  }
.Ltmp3:
0x34: {  	s16 =	sadd.s32 $0x1000, s16;
	(pc) =	sbr.rel @p2 .LBB2_4-.Ltmp3, $4  }
0x35: {  	s17 =	sshra.s32 s17, $0x2  }
0x36: {  	s17 =	sadd.s32 s17, s15  }
0x37: {  	[tilespmem:s17], [sflag:$0x1] =	stream.indirect_vreg.gather [hbm:s3], $0x80, v1, vm0, $0x38;
	[tilespmem:$0x10040] =	vst v63  }
0x38: {  	s17 =	sadd.s32 $0x2000, s17;
	v1 =	vadd.s32 $0x80, v1  }
0x39: {  	_ = 	snop  }
.Ltmp4:
0x3a: {  	_ = 	snop;
	(pc) =	sbr.rel @p1 .LBB2_3-.Ltmp4, $3  }
0x3b: {  	_ =	sdelay $0x1  }
0x3c: {  	[tilespmem:s17], [sflag:$0x1] =	stream.indirect_vreg.gather [hbm:s3], $0x80, v0, vm1, $0x38;
	[tilespmem:$0x10040] =	vst v63  }
0x3d: {  	s15 =	simm.s32 $0x1;
	p2 =	por $0x0, $0x0  }
0x3e: {  	s13 =	sshll.u32 s11, $0x7  }
0x3f: {  	s31 =	sshll.u32 s11, $0x4;
	s13 =	sand.u32 $0xFFFFFC00, s13  }
0x40: {  	_ =	swait.ge [sflag:s4], $0x8000;
	s11 =	sand.u32 $0x70, s31;
	s13 =	sadd.s32 s13, s7  }
0x41: {  	s14 =	sadd.s32 $0x2000, s12;
	[sflag:s4] =	ssyncset.done $0x0;
	s11 =	sadd.s32 s11, s13  }
0x42: {  	[sflag:s4] =	ssyncadd.s32 $0xFFFF8000;
	s13 =	simm.s32 $0x400;
	s15 =	sadd.s32 $0x0, s11  }
.LBB2_7:
0x43: {  	[hbm:s15] =	stream.linear.scatter [tilespmem:s12], [sflag:$0x3], $0x2000, $0x38;
	[tilespmem:$0x10040] =	vst v63  }
0x44: {  	s15 =	smov.u32 s13;
	s12 =	smov.u32 s14;
	p1 =	sne.s32 s13, $0xC00  }
.Ltmp5:
0x45: {  	s13 =	sadd.s32 $0x400, s13;
	(pc) =	sbr.rel @p1 .LBB2_7-.Ltmp5, $2  }
0x46: {  	_ =	sdelay $0x2  }
0x47: {  	s14 =	sadd.s32 $0x2000, s14;
	s15 =	sadd.s32 s15, s11  }
.Ltmp6:
0x48: {  	(pc) =	sbr.rel .LBB2_9-.Ltmp6, $2  }
0x49: {  	_ =	sdelay $0x2  }
0x4a: {  	[hbm:s15] =	stream.linear.scatter [tilespmem:s12], [sflag:$0x3], $0x2000, $0x38;
	[tilespmem:$0x10040] =	vst v63  }
.LBB2_10:
0x4b: {  	_ =	sfence.sel $0x180000  }
0x4c: {  	s2 =	simm.s32 $0x2;
	[bflag:$0x0] =	sbarrier.arrive $0xFFFF  }
0x4d: {  	s30 =	simm.s32 $0x3;
	[sflag:s2] =	ssyncpa.u1 $0x1  }
0x4e: {  	s31 =	simm.s32 $0x1;
	[sflag:s30] =	ssyncpa.u1 $0x1  }
0x4f: {  	[sflag:s31] =	ssyncpa.u1 $0x1  }
0x50: {  	p0 =	sne.s32 s1, $0x0;
	_ =	strace $0x90000047  }
0x51: {  	s0 =	sadd.s32 @!p0 $0x100000, s0;
	[bflag:$0x2] =	sbarrier.arrive $0xFFFF  }
0x52: {  	[sflag:s0] =	ssyncadd.tile.s32 @!p0 $0x1;
	_ =	shalt  }
.Lfunc_end2:
_tile_overlayer_lowered:
.L_overlay_start_2:
0x53: {  	(tag) =	ssettag $0x2  }
0x54: {  	s0 =	rddreg [dreg:$0x0];
	s2 =	stileid.u32  }
0x55: {  	s1 =	rddreg [dreg:$0x1];
	p0 =	sne.s32 s2, $0x0  }
0x56: {  	s3 =	rddreg [dreg:$0x2];
	[bflag:$0x3] =	sbarrier.arrive $0xFFFF;
	s2 =	simm.s32 @!p0 $0x1C01  }
0x57: {  	[timem:s3], [sflag:s2] =	dma.local @!p0 [hbm:s0], s1  }
0x58: {  	s0 =	simm.s32 @!p0 $0x1  }
0x59: {  	_ =	swait.ge @!p0 [sflag:s0], s1  }
0x5a: {  	s1 =	ssub.s32 @!p0 $0x0, s1;
	[sflag:s0] =	ssyncset.done @!p0 $0x0  }
0x5b: {  	[sflag:s0] =	ssyncadd.s32 @!p0 s1  }
0x5c: {  	[bflag:$0x3] =	sbarrier.arrive $0xFFFF  }
0x5d: {  	_ =	shalt  }

</sc_bundles>
